<compile_context>
chip_gen: v7x
topology: tpu7x:2x2x1
jax: 0.10.2.dev20260603
libtpu: 0.0.44.dev20260713+nightly
codegen_flags: <defaults>
</compile_context>

<pallas_src>
import functools

import jax
import jax.numpy as jnp
from jax import lax
from jax.experimental import pallas as pl
from jax.experimental.pallas import tpu as pltpu
from jax.experimental.pallas import tpu_sc as plsc

D = 120
DP = 128
EPS = 1e-12
NC = 2
NS = 16
NW = NC * NS
L = 16

_SC_PARAMS = pltpu.CompilerParams(
    use_tc_tiling_on_sc=True, needs_layout_passes=False
)
_MESH = dict(core_axis_name="c", subcore_axis_name="s")


def _translate_sc(ids2, id_map):
    batch, seq = ids2.shape
    V = id_map.shape[0]
    rows_per_w = batch // NW
    t_per_w = rows_per_w * seq
    assert rows_per_w * NW == batch and t_per_w % L == 0

    @functools.partial(
        pl.kernel,
        out_type=jax.ShapeDtypeStruct((batch * seq,), jnp.int32),
        mesh=plsc.VectorSubcoreMesh(**_MESH),
        compiler_params=_SC_PARAMS,
        scratch_types=[
            pltpu.VMEM((rows_per_w, seq), jnp.int32),
            pltpu.VMEM((V,), jnp.int32),
            pltpu.VMEM((t_per_w,), jnp.int32),
            pltpu.SemaphoreType.DMA,
        ],
    )
    def k(ids_hbm, idm_hbm, out_hbm, ids2_v, idm_v, cidx_v, sem):
        wid = lax.axis_index("s") * NC + lax.axis_index("c")
        cp = pltpu.async_copy(idm_hbm, idm_v, sem)
        pltpu.sync_copy(ids_hbm.at[pl.ds(wid * rows_per_w, rows_per_w)], ids2_v)
        cp.wait()

        def conv(g, _):
            t = g * L + lax.iota(jnp.int32, L)
            r = t // seq
            c = t - r * seq
            v = plsc.load_gather(ids2_v, [r, c])
            cidx_v[pl.ds(g * L, L)] = plsc.load_gather(idm_v, [v])
            return ()

        lax.fori_loop(0, t_per_w // L, conv, ())
        pltpu.sync_copy(cidx_v, out_hbm.at[pl.ds(wid * t_per_w, t_per_w)])

    return k(ids2, id_map)


def _layernorm_table_tc(table, gamma, beta, blk):
    rows, d = table.shape

    def body(x_ref, g_ref, b_ref, o_ref):
        v = x_ref[...]
        mean = jnp.mean(v, axis=-1, keepdims=True)
        cen = v - mean
        var = jnp.mean(cen * cen, axis=-1, keepdims=True)
        y = cen * lax.rsqrt(var + EPS) * g_ref[...] + b_ref[...]
        o_ref[...] = jnp.pad(y, ((0, 0), (0, DP - d)))

    return pl.pallas_call(
        body,
        grid=(rows // blk,),
        in_specs=[
            pl.BlockSpec((blk, d), lambda i: (i, 0)),
            pl.BlockSpec((1, d), lambda i: (0, 0)),
            pl.BlockSpec((1, d), lambda i: (0, 0)),
        ],
        out_specs=pl.BlockSpec((blk, DP), lambda i: (i, 0)),
        out_shape=jax.ShapeDtypeStruct((rows, DP), jnp.float32),
    )(table, gamma, beta)


def _gather_sc(normed, cidx, chunk, nbuf, look):
    B = cidx.shape[0]
    b_per_w = B // NW
    n_chunks = b_per_w // chunk
    assert b_per_w * NW == B and n_chunks * chunk == b_per_w
    assert n_chunks % nbuf == 0 and 0 < look < nbuf

    @functools.partial(
        pl.kernel,
        out_type=jax.ShapeDtypeStruct((B, DP), jnp.float32),
        mesh=plsc.VectorSubcoreMesh(**_MESH),
        compiler_params=_SC_PARAMS,
        scratch_types=[
            pltpu.VMEM((b_per_w,), jnp.int32),
            pltpu.VMEM((nbuf, chunk, DP), jnp.float32),
        ]
        + [pltpu.SemaphoreType.DMA] * (2 * nbuf),
    )
    def k(normed_hbm, cidx_hbm, out_hbm, cidx_v, rows_v, *sems):
        gsem, ssem = sems[:nbuf], sems[nbuf:]
        wid = lax.axis_index("s") * NC + lax.axis_index("c")
        base = wid * b_per_w
        pltpu.sync_copy(cidx_hbm.at[pl.ds(base, b_per_w)], cidx_v)

        def gather(i, b, make_only):
            src = normed_hbm.at[cidx_v.at[pl.ds(i * chunk, chunk)]]
            return pltpu.make_async_copy(src, rows_v.at[b], gsem[b]) if make_only \
                else pltpu.async_copy(src, rows_v.at[b], gsem[b])

        def scatter(i, b):
            return pltpu.make_async_copy(
                rows_v.at[b],
                out_hbm.at[pl.ds(base + i * chunk, chunk)],
                ssem[b],
            )

        for j in range(look):
            gather(j, j % nbuf, False)

        def group(g, _):
            i0 = g * nbuf
            for b in range(nbuf):
                i = i0 + b
                j = i + look
                jb = (b + look) % nbuf

                @pl.when(j < n_chunks)
                def _():
                    @pl.when(j - nbuf >= 0)
                    def _():
                        scatter(j - nbuf, jb).wait()

                    gather(j, jb, False)

                gather(i, b, True).wait()
                scatter(i, b).start()
            return ()

        lax.fori_loop(0, n_chunks // nbuf, group, ())
        for b in range(nbuf):
            scatter(n_chunks - nbuf + b, b).wait()

    return k(normed, cidx)


def kernel(input_ids, id_map, table, gamma, beta):
    batch, seq = input_ids.shape
    cidx = _translate_sc(input_ids.astype(jnp.int32), id_map.astype(jnp.int32))
    normed = _layernorm_table_tc(
        table, gamma.reshape(1, D), beta.reshape(1, D), blk=2000
    )
    out = _gather_sc(normed, cidx, chunk=128, nbuf=5, look=4)
    return out[:, :D].reshape(batch, seq, D)

# --- scband reference (transcript-rebuilt; emitter-appended) ---
"""Pipeline reference for scband-char-stroke-embedding-33191507264281 (READ-ONLY COPY).

The authoritative reference and input builder live on the scoring server;
editing this copy changes nothing except your own understanding.
"""

import jax, jax.numpy as jnp
import numpy as np

NUM_EMBEDDINGS = 100000
EMBED_DIM = 120
BERT_VOCAB = 21128
EPS = 1e-12
BATCH = 4096
SEQ = 200


def setup_inputs(seed: int = 0) -> dict:
    key = jax.random.key(seed)
    k_ids, k_map, k_tab, k_g, k_b = jax.random.split(key, 5)
    input_ids = jax.random.randint(k_ids, (BATCH, SEQ), 0, BERT_VOCAB, dtype=jnp.int64 if jax.config.read('jax_enable_x64') else jnp.int32)
    # id_map models convert_ids(): maps BERT token ids -> stroke-vocab embedding rows
    id_map = jax.random.randint(k_map, (BERT_VOCAB,), 0, NUM_EMBEDDINGS, dtype=jnp.int32)
    # pretrained word2vec stroke vectors (frozen embedding table)
    table = jax.random.normal(k_tab, (NUM_EMBEDDINGS, EMBED_DIM), dtype=jnp.float32) * 0.02
    gamma = jnp.ones((EMBED_DIM,), dtype=jnp.float32)
    beta = jnp.zeros((EMBED_DIM,), dtype=jnp.float32)
    return {"input_ids": input_ids, "id_map": id_map, "table": table, "gamma": gamma, "beta": beta}


def reference(input_ids, id_map, table, gamma, beta):
    # convert_ids: BERT ids -> stroke vocab ids (gather through mapping table)
    converted_ids = jnp.take(id_map, input_ids, axis=0)
    # embedding lookup
    embeddings = jnp.take(table, converted_ids, axis=0)  # [B, S, 120]
    # BertLayerNorm over last dim, eps=1e-12
    mean = jnp.mean(embeddings, axis=-1, keepdims=True)
    var = jnp.mean((embeddings - mean) ** 2, axis=-1, keepdims=True)
    normed = (embeddings - mean) / jnp.sqrt(var + EPS)
    out = normed * gamma + beta
    # dropout(p=0.2) is identity in eval mode
    return out

if __name__ == "__main__":
    import jax
    _d = setup_inputs()
    print(jax.jit(kernel)(*tuple(_d.values())))

</pallas_src>

<mosaic_0001>
#map = affine_map<(d0, d1) -> (0, 0)>
#map1 = affine_map<(d0, d1) -> (0)>
module attributes {stable_mosaic.version = 14 : i64} {
  func.func @k(%arg0: i32, %arg1: i32, %arg2: memref<100000x128xf32, #tpu.memory_space<hbm>>, %arg3: memref<819200xi32, #tpu.memory_space<hbm>>, %arg4: memref<819200x128xf32, #tpu.memory_space<hbm>>, %arg5: memref<25600xi32, #tpu.memory_space<vmem>>, %arg6: memref<5x128x128xf32, #tpu.memory_space<vmem>>, %arg7: memref<!tpu.dma_semaphore, #tpu.memory_space<semaphore_mem>>, %arg8: memref<!tpu.dma_semaphore, #tpu.memory_space<semaphore_mem>>, %arg9: memref<!tpu.dma_semaphore, #tpu.memory_space<semaphore_mem>>, %arg10: memref<!tpu.dma_semaphore, #tpu.memory_space<semaphore_mem>>, %arg11: memref<!tpu.dma_semaphore, #tpu.memory_space<semaphore_mem>>, %arg12: memref<!tpu.dma_semaphore, #tpu.memory_space<semaphore_mem>>, %arg13: memref<!tpu.dma_semaphore, #tpu.memory_space<semaphore_mem>>, %arg14: memref<!tpu.dma_semaphore, #tpu.memory_space<semaphore_mem>>, %arg15: memref<!tpu.dma_semaphore, #tpu.memory_space<semaphore_mem>>, %arg16: memref<!tpu.dma_semaphore, #tpu.memory_space<semaphore_mem>>) attributes {dimension_semantics = [#tpu.dimension_semantics<core_parallel>, #tpu.dimension_semantics<subcore_parallel>], iteration_bounds = array<i64: 2, 16>, scalar_prefetch = 0 : i64, scratch_operands = 12 : i64, tpu.core_type = #tpu.core_type<sc_vector_subcore>, window_params = [{transform_indices = #map}, {transform_indices = #map1}, {transform_indices = #map}]} {
    %mul3A = arith.constant 2 : i32
    %mul3A_0 = arith.muli %arg1, %mul3A : i32
    %add3A = arith.addi %mul3A_0, %arg0 : i32
    %mul3A_1 = arith.constant 25600 : i32
    %mul3A_2 = arith.muli %add3A, %mul3A_1 : i32
    "tpu.region"() ({
      %run_scoped3A = tpu.sem_alloc : memref<!tpu.dma_semaphore, #tpu.memory_space<semaphore_mem>>
      %dma_start3A_120 = tpu.memref_slice %arg3[%mul3A_2] : memref<819200xi32, #tpu.memory_space<hbm>> -> memref<25600xi32, #tpu.memory_space<hbm>>
      %dma_start3A_121 = tpu.memref_slice %arg3[%mul3A_2] : memref<819200xi32, #tpu.memory_space<hbm>> -> memref<25600xi32, #tpu.memory_space<hbm>>
      tpu.enqueue_dma source(%dma_start3A_121 : memref<25600xi32, #tpu.memory_space<hbm>>) target(%arg5 : memref<25600xi32, #tpu.memory_space<vmem>>) target_semaphore(%run_scoped3A : memref<!tpu.dma_semaphore, #tpu.memory_space<semaphore_mem>>)
      %dma_wait3A_122 = tpu.memref_slice %arg3[%mul3A_2] : memref<819200xi32, #tpu.memory_space<hbm>> -> memref<25600xi32, #tpu.memory_space<hbm>>
      %dma_wait3A_123 = tpu.memref_slice %arg3[%mul3A_2] : memref<819200xi32, #tpu.memory_space<hbm>> -> memref<25600xi32, #tpu.memory_space<hbm>>
      tpu.wait_dma2 semaphore(%run_scoped3A : memref<!tpu.dma_semaphore, #tpu.memory_space<semaphore_mem>>) src(%dma_wait3A_123 : memref<25600xi32, #tpu.memory_space<hbm>>) dst(%arg5 : memref<25600xi32, #tpu.memory_space<vmem>>)
      tpu.yield
    }) : () -> ()
    %dma_start3A = arith.constant 0 : i32
    %dma_start3A_3 = arith.constant 0 : i32
    %dma_start3A_4 = arith.constant 0 : i32
    %dma_start3A_5 = tpu.memref_slice %arg6[%dma_start3A, %dma_start3A_3, %dma_start3A_4] : memref<5x128x128xf32, #tpu.memory_space<vmem>> -> memref<1x128x128xf32, #tpu.memory_space<vmem>>
    %dma_start3A_6 = tpu.memref_squeeze %dma_start3A_5 : memref<1x128x128xf32, #tpu.memory_space<vmem>> -> memref<128x128xf32, #tpu.memory_space<vmem>>
    %dma_start3A_7 = arith.constant 0 : i32
    %dma_start3A_8 = tpu.memref_slice %arg5[%dma_start3A_7] : memref<25600xi32, #tpu.memory_space<vmem>> -> memref<128xi32, #tpu.memory_space<vmem>>
    %dma_start3A_9 = arith.constant 0 : i32
    %dma_start3A_10 = arith.constant 0 : i32
    %dma_start3A_11 = tpu.memref_slice %arg2[%dma_start3A_9, %dma_start3A_10] : memref<100000x128xf32, #tpu.memory_space<hbm>> -> memref<100000x128xf32, #tpu.memory_space<hbm>>
    tpu.enqueue_indirect_dma source(%dma_start3A_11 : memref<100000x128xf32, #tpu.memory_space<hbm>>) target(%dma_start3A_6 : memref<128x128xf32, #tpu.memory_space<vmem>>) offsets(%dma_start3A_8 : memref<128xi32, #tpu.memory_space<vmem>>) semaphore(%arg7 : memref<!tpu.dma_semaphore, #tpu.memory_space<semaphore_mem>>)
    %dma_start3A_12 = arith.constant 1 : i32
    %dma_start3A_13 = arith.constant 0 : i32
    %dma_start3A_14 = arith.constant 0 : i32
    %dma_start3A_15 = tpu.memref_slice %arg6[%dma_start3A_12, %dma_start3A_13, %dma_start3A_14] : memref<5x128x128xf32, #tpu.memory_space<vmem>> -> memref<1x128x128xf32, #tpu.memory_space<vmem>>
    %dma_start3A_16 = tpu.memref_squeeze %dma_start3A_15 : memref<1x128x128xf32, #tpu.memory_space<vmem>> -> memref<128x128xf32, #tpu.memory_space<vmem>>
    %dma_start3A_17 = arith.constant 128 : i32
    %dma_start3A_18 = tpu.memref_slice %arg5[%dma_start3A_17] : memref<25600xi32, #tpu.memory_space<vmem>> -> memref<128xi32, #tpu.memory_space<vmem>>
    %dma_start3A_19 = arith.constant 0 : i32
    %dma_start3A_20 = arith.constant 0 : i32
    %dma_start3A_21 = tpu.memref_slice %arg2[%dma_start3A_19, %dma_start3A_20] : memref<100000x128xf32, #tpu.memory_space<hbm>> -> memref<100000x128xf32, #tpu.memory_space<hbm>>
    tpu.enqueue_indirect_dma source(%dma_start3A_21 : memref<100000x128xf32, #tpu.memory_space<hbm>>) target(%dma_start3A_16 : memref<128x128xf32, #tpu.memory_space<vmem>>) offsets(%dma_start3A_18 : memref<128xi32, #tpu.memory_space<vmem>>) semaphore(%arg8 : memref<!tpu.dma_semaphore, #tpu.memory_space<semaphore_mem>>)
    %dma_start3A_22 = arith.constant 2 : i32
    %dma_start3A_23 = arith.constant 0 : i32
    %dma_start3A_24 = arith.constant 0 : i32
    %dma_start3A_25 = tpu.memref_slice %arg6[%dma_start3A_22, %dma_start3A_23, %dma_start3A_24] : memref<5x128x128xf32, #tpu.memory_space<vmem>> -> memref<1x128x128xf32, #tpu.memory_space<vmem>>
    %dma_start3A_26 = tpu.memref_squeeze %dma_start3A_25 : memref<1x128x128xf32, #tpu.memory_space<vmem>> -> memref<128x128xf32, #tpu.memory_space<vmem>>
    %dma_start3A_27 = arith.constant 256 : i32
    %dma_start3A_28 = tpu.memref_slice %arg5[%dma_start3A_27] : memref<25600xi32, #tpu.memory_space<vmem>> -> memref<128xi32, #tpu.memory_space<vmem>>
    %dma_start3A_29 = arith.constant 0 : i32
    %dma_start3A_30 = arith.constant 0 : i32
    %dma_start3A_31 = tpu.memref_slice %arg2[%dma_start3A_29, %dma_start3A_30] : memref<100000x128xf32, #tpu.memory_space<hbm>> -> memref<100000x128xf32, #tpu.memory_space<hbm>>
    tpu.enqueue_indirect_dma source(%dma_start3A_31 : memref<100000x128xf32, #tpu.memory_space<hbm>>) target(%dma_start3A_26 : memref<128x128xf32, #tpu.memory_space<vmem>>) offsets(%dma_start3A_28 : memref<128xi32, #tpu.memory_space<vmem>>) semaphore(%arg9 : memref<!tpu.dma_semaphore, #tpu.memory_space<semaphore_mem>>)
    %dma_start3A_32 = arith.constant 3 : i32
    %dma_start3A_33 = arith.constant 0 : i32
    %dma_start3A_34 = arith.constant 0 : i32
    %dma_start3A_35 = tpu.memref_slice %arg6[%dma_start3A_32, %dma_start3A_33, %dma_start3A_34] : memref<5x128x128xf32, #tpu.memory_space<vmem>> -> memref<1x128x128xf32, #tpu.memory_space<vmem>>
    %dma_start3A_36 = tpu.memref_squeeze %dma_start3A_35 : memref<1x128x128xf32, #tpu.memory_space<vmem>> -> memref<128x128xf32, #tpu.memory_space<vmem>>
    %dma_start3A_37 = arith.constant 384 : i32
    %dma_start3A_38 = tpu.memref_slice %arg5[%dma_start3A_37] : memref<25600xi32, #tpu.memory_space<vmem>> -> memref<128xi32, #tpu.memory_space<vmem>>
    %dma_start3A_39 = arith.constant 0 : i32
    %dma_start3A_40 = arith.constant 0 : i32
    %dma_start3A_41 = tpu.memref_slice %arg2[%dma_start3A_39, %dma_start3A_40] : memref<100000x128xf32, #tpu.memory_space<hbm>> -> memref<100000x128xf32, #tpu.memory_space<hbm>>
    tpu.enqueue_indirect_dma source(%dma_start3A_41 : memref<100000x128xf32, #tpu.memory_space<hbm>>) target(%dma_start3A_36 : memref<128x128xf32, #tpu.memory_space<vmem>>) offsets(%dma_start3A_38 : memref<128xi32, #tpu.memory_space<vmem>>) semaphore(%arg10 : memref<!tpu.dma_semaphore, #tpu.memory_space<semaphore_mem>>)
    %scan3A = arith.constant 0 : i32
    %scan3A_42 = arith.constant 40 : i32
    %scan3A_43 = arith.addi %scan3A, %scan3A_42 : i32
    %scan3A_44 = arith.constant 1 : i32
    scf.for %scan3A_120 = %scan3A to %scan3A_43 step %scan3A_44  : i32 {
      %mul3A_121 = arith.constant 5 : i32
      %mul3A_122 = arith.muli %scan3A_120, %mul3A_121 : i32
      %add3A_123 = arith.constant 0 : i32
      %add3A_124 = arith.addi %mul3A_122, %add3A_123 : i32
      %add3A_125 = arith.constant 4 : i32
      %add3A_126 = arith.addi %add3A_124, %add3A_125 : i32
      %lt3A = arith.constant 200 : i32
      %lt3A_127 = arith.cmpi slt, %add3A_126, %lt3A : i32
      %convert_element_type3A = arith.extui %lt3A_127 : i1 to i32
      %cond3A = arith.constant 0 : i32
      %cond3A_128 = arith.cmpi ne, %convert_element_type3A, %cond3A : i32
      scf.if %cond3A_128 {
        %sub3A = arith.constant 5 : i32
        %sub3A_300 = arith.subi %add3A_126, %sub3A : i32
        %ge3A = arith.constant 0 : i32
        %ge3A_301 = arith.cmpi sge, %sub3A_300, %ge3A : i32
        %convert_element_type3A_302 = arith.extui %ge3A_301 : i1 to i32
        %cond3A_303 = arith.constant 0 : i32
        %cond3A_304 = arith.cmpi ne, %convert_element_type3A_302, %cond3A_303 : i32
        scf.if %cond3A_304 {
          %sub3A_316 = arith.constant 5 : i32
          %sub3A_317 = arith.subi %add3A_126, %sub3A_316 : i32
          %mul3A_318 = arith.constant 128 : i32
          %mul3A_319 = arith.muli %sub3A_317, %mul3A_318 : i32
          %add3A_320 = arith.addi %mul3A_2, %mul3A_319 : i32
          %dma_wait3A_321 = arith.constant 4 : i32
          %dma_wait3A_322 = arith.constant 0 : i32
          %dma_wait3A_323 = arith.constant 0 : i32
          %dma_wait3A_324 = tpu.memref_slice %arg6[%dma_wait3A_321, %dma_wait3A_322, %dma_wait3A_323] : memref<5x128x128xf32, #tpu.memory_space<vmem>> -> memref<1x128x128xf32, #tpu.memory_space<vmem>>
          %dma_wait3A_325 = tpu.memref_squeeze %dma_wait3A_324 : memref<1x128x128xf32, #tpu.memory_space<vmem>> -> memref<128x128xf32, #tpu.memory_space<vmem>>
          %dma_wait3A_326 = arith.constant 0 : i32
          %dma_wait3A_327 = tpu.memref_slice %arg4[%add3A_320, %dma_wait3A_326] : memref<819200x128xf32, #tpu.memory_space<hbm>> -> memref<128x128xf32, #tpu.memory_space<hbm>>
          %dma_wait3A_328 = arith.constant 0 : i32
          %dma_wait3A_329 = tpu.memref_slice %arg4[%add3A_320, %dma_wait3A_328] : memref<819200x128xf32, #tpu.memory_space<hbm>> -> memref<128x128xf32, #tpu.memory_space<hbm>>
          %dma_wait3A_330 = arith.constant 0 : i32
          %dma_wait3A_331 = arith.constant 0 : i32
          %dma_wait3A_332 = tpu.memref_slice %arg6[%dma_wait3A_321, %dma_wait3A_330, %dma_wait3A_331] : memref<5x128x128xf32, #tpu.memory_space<vmem>> -> memref<1x128x128xf32, #tpu.memory_space<vmem>>
          %dma_wait3A_333 = tpu.memref_squeeze %dma_wait3A_332 : memref<1x128x128xf32, #tpu.memory_space<vmem>> -> memref<128x128xf32, #tpu.memory_space<vmem>>
          tpu.wait_dma2 semaphore(%arg16 : memref<!tpu.dma_semaphore, #tpu.memory_space<semaphore_mem>>) src(%dma_wait3A_333 : memref<128x128xf32, #tpu.memory_space<vmem>>) dst(%dma_wait3A_329 : memref<128x128xf32, #tpu.memory_space<hbm>>)
        } else {
        }
        %mul3A_305 = arith.constant 128 : i32
        %mul3A_306 = arith.muli %add3A_126, %mul3A_305 : i32
        %dma_start3A_307 = arith.constant 4 : i32
        %dma_start3A_308 = arith.constant 0 : i32
        %dma_start3A_309 = arith.constant 0 : i32
        %dma_start3A_310 = tpu.memref_slice %arg6[%dma_start3A_307, %dma_start3A_308, %dma_start3A_309] : memref<5x128x128xf32, #tpu.memory_space<vmem>> -> memref<1x128x128xf32, #tpu.memory_space<vmem>>
        %dma_start3A_311 = tpu.memref_squeeze %dma_start3A_310 : memref<1x128x128xf32, #tpu.memory_space<vmem>> -> memref<128x128xf32, #tpu.memory_space<vmem>>
        %dma_start3A_312 = tpu.memref_slice %arg5[%mul3A_306] : memref<25600xi32, #tpu.memory_space<vmem>> -> memref<128xi32, #tpu.memory_space<vmem>>
        %dma_start3A_313 = arith.constant 0 : i32
        %dma_start3A_314 = arith.constant 0 : i32
        %dma_start3A_315 = tpu.memref_slice %arg2[%dma_start3A_313, %dma_start3A_314] : memref<100000x128xf32, #tpu.memory_space<hbm>> -> memref<100000x128xf32, #tpu.memory_space<hbm>>
        tpu.enqueue_indirect_dma source(%dma_start3A_315 : memref<100000x128xf32, #tpu.memory_space<hbm>>) target(%dma_start3A_311 : memref<128x128xf32, #tpu.memory_space<vmem>>) offsets(%dma_start3A_312 : memref<128xi32, #tpu.memory_space<vmem>>) semaphore(%arg11 : memref<!tpu.dma_semaphore, #tpu.memory_space<semaphore_mem>>)
      } else {
      }
      %mul3A_129 = arith.constant 128 : i32
      %mul3A_130 = arith.muli %add3A_124, %mul3A_129 : i32
      %dma_wait3A_131 = arith.constant 0 : i32
      %dma_wait3A_132 = arith.constant 0 : i32
      %dma_wait3A_133 = arith.constant 0 : i32
      %dma_wait3A_134 = tpu.memref_slice %arg6[%dma_wait3A_131, %dma_wait3A_132, %dma_wait3A_133] : memref<5x128x128xf32, #tpu.memory_space<vmem>> -> memref<1x128x128xf32, #tpu.memory_space<vmem>>
      %dma_wait3A_135 = tpu.memref_squeeze %dma_wait3A_134 : memref<1x128x128xf32, #tpu.memory_space<vmem>> -> memref<128x128xf32, #tpu.memory_space<vmem>>
      %dma_wait3A_136 = tpu.memref_slice %arg5[%mul3A_130] : memref<25600xi32, #tpu.memory_space<vmem>> -> memref<128xi32, #tpu.memory_space<vmem>>
      %dma_wait3A_137 = arith.constant 0 : i32
      %dma_wait3A_138 = arith.constant 0 : i32
      %dma_wait3A_139 = tpu.memref_slice %arg2[%dma_wait3A_137, %dma_wait3A_138] : memref<100000x128xf32, #tpu.memory_space<hbm>> -> memref<100000x128xf32, #tpu.memory_space<hbm>>
      tpu.wait_indirect_dma semaphore(%arg7 : memref<!tpu.dma_semaphore, #tpu.memory_space<semaphore_mem>>) src(%dma_wait3A_139 : memref<100000x128xf32, #tpu.memory_space<hbm>>) dst(%dma_wait3A_135 : memref<128x128xf32, #tpu.memory_space<vmem>>)
      %mul3A_140 = arith.constant 128 : i32
      %mul3A_141 = arith.muli %add3A_124, %mul3A_140 : i32
      %add3A_142 = arith.addi %mul3A_2, %mul3A_141 : i32
      %dma_start3A_143 = arith.constant 0 : i32
      %dma_start3A_144 = arith.constant 0 : i32
      %dma_start3A_145 = arith.constant 0 : i32
      %dma_start3A_146 = tpu.memref_slice %arg6[%dma_start3A_143, %dma_start3A_144, %dma_start3A_145] : memref<5x128x128xf32, #tpu.memory_space<vmem>> -> memref<1x128x128xf32, #tpu.memory_space<vmem>>
      %dma_start3A_147 = tpu.memref_squeeze %dma_start3A_146 : memref<1x128x128xf32, #tpu.memory_space<vmem>> -> memref<128x128xf32, #tpu.memory_space<vmem>>
      %dma_start3A_148 = arith.constant 0 : i32
      %dma_start3A_149 = tpu.memref_slice %arg4[%add3A_142, %dma_start3A_148] : memref<819200x128xf32, #tpu.memory_space<hbm>> -> memref<128x128xf32, #tpu.memory_space<hbm>>
      %dma_start3A_150 = arith.constant 0 : i32
      %dma_start3A_151 = tpu.memref_slice %arg4[%add3A_142, %dma_start3A_150] : memref<819200x128xf32, #tpu.memory_space<hbm>> -> memref<128x128xf32, #tpu.memory_space<hbm>>
      %dma_start3A_152 = arith.constant 0 : i32
      %dma_start3A_153 = arith.constant 0 : i32
      %dma_start3A_154 = tpu.memref_slice %arg6[%dma_start3A_143, %dma_start3A_152, %dma_start3A_153] : memref<5x128x128xf32, #tpu.memory_space<vmem>> -> memref<1x128x128xf32, #tpu.memory_space<vmem>>
      %dma_start3A_155 = tpu.memref_squeeze %dma_start3A_154 : memref<1x128x128xf32, #tpu.memory_space<vmem>> -> memref<128x128xf32, #tpu.memory_space<vmem>>
      tpu.enqueue_dma source(%dma_start3A_155 : memref<128x128xf32, #tpu.memory_space<vmem>>) target(%dma_start3A_151 : memref<128x128xf32, #tpu.memory_space<hbm>>) target_semaphore(%arg12 : memref<!tpu.dma_semaphore, #tpu.memory_space<semaphore_mem>>)
      %add3A_156 = arith.constant 1 : i32
      %add3A_157 = arith.addi %mul3A_122, %add3A_156 : i32
      %add3A_158 = arith.constant 4 : i32
      %add3A_159 = arith.addi %add3A_157, %add3A_158 : i32
      %lt3A_160 = arith.constant 200 : i32
      %lt3A_161 = arith.cmpi slt, %add3A_159, %lt3A_160 : i32
      %convert_element_type3A_162 = arith.extui %lt3A_161 : i1 to i32
      %cond3A_163 = arith.constant 0 : i32
      %cond3A_164 = arith.cmpi ne, %convert_element_type3A_162, %cond3A_163 : i32
      scf.if %cond3A_164 {
        %sub3A = arith.constant 5 : i32
        %sub3A_300 = arith.subi %add3A_159, %sub3A : i32
        %ge3A = arith.constant 0 : i32
        %ge3A_301 = arith.cmpi sge, %sub3A_300, %ge3A : i32
        %convert_element_type3A_302 = arith.extui %ge3A_301 : i1 to i32
        %cond3A_303 = arith.constant 0 : i32
        %cond3A_304 = arith.cmpi ne, %convert_element_type3A_302, %cond3A_303 : i32
        scf.if %cond3A_304 {
          %sub3A_316 = arith.constant 5 : i32
          %sub3A_317 = arith.subi %add3A_159, %sub3A_316 : i32
          %mul3A_318 = arith.constant 128 : i32
          %mul3A_319 = arith.muli %sub3A_317, %mul3A_318 : i32
          %add3A_320 = arith.addi %mul3A_2, %mul3A_319 : i32
          %dma_wait3A_321 = arith.constant 0 : i32
          %dma_wait3A_322 = arith.constant 0 : i32
          %dma_wait3A_323 = arith.constant 0 : i32
          %dma_wait3A_324 = tpu.memref_slice %arg6[%dma_wait3A_321, %dma_wait3A_322, %dma_wait3A_323] : memref<5x128x128xf32, #tpu.memory_space<vmem>> -> memref<1x128x128xf32, #tpu.memory_space<vmem>>
          %dma_wait3A_325 = tpu.memref_squeeze %dma_wait3A_324 : memref<1x128x128xf32, #tpu.memory_space<vmem>> -> memref<128x128xf32, #tpu.memory_space<vmem>>
          %dma_wait3A_326 = arith.constant 0 : i32
          %dma_wait3A_327 = tpu.memref_slice %arg4[%add3A_320, %dma_wait3A_326] : memref<819200x128xf32, #tpu.memory_space<hbm>> -> memref<128x128xf32, #tpu.memory_space<hbm>>
          %dma_wait3A_328 = arith.constant 0 : i32
          %dma_wait3A_329 = tpu.memref_slice %arg4[%add3A_320, %dma_wait3A_328] : memref<819200x128xf32, #tpu.memory_space<hbm>> -> memref<128x128xf32, #tpu.memory_space<hbm>>
          %dma_wait3A_330 = arith.constant 0 : i32
          %dma_wait3A_331 = arith.constant 0 : i32
          %dma_wait3A_332 = tpu.memref_slice %arg6[%dma_wait3A_321, %dma_wait3A_330, %dma_wait3A_331] : memref<5x128x128xf32, #tpu.memory_space<vmem>> -> memref<1x128x128xf32, #tpu.memory_space<vmem>>
          %dma_wait3A_333 = tpu.memref_squeeze %dma_wait3A_332 : memref<1x128x128xf32, #tpu.memory_space<vmem>> -> memref<128x128xf32, #tpu.memory_space<vmem>>
          tpu.wait_dma2 semaphore(%arg12 : memref<!tpu.dma_semaphore, #tpu.memory_space<semaphore_mem>>) src(%dma_wait3A_333 : memref<128x128xf32, #tpu.memory_space<vmem>>) dst(%dma_wait3A_329 : memref<128x128xf32, #tpu.memory_space<hbm>>)
        } else {
        }
        %mul3A_305 = arith.constant 128 : i32
        %mul3A_306 = arith.muli %add3A_159, %mul3A_305 : i32
        %dma_start3A_307 = arith.constant 0 : i32
        %dma_start3A_308 = arith.constant 0 : i32
        %dma_start3A_309 = arith.constant 0 : i32
        %dma_start3A_310 = tpu.memref_slice %arg6[%dma_start3A_307, %dma_start3A_308, %dma_start3A_309] : memref<5x128x128xf32, #tpu.memory_space<vmem>> -> memref<1x128x128xf32, #tpu.memory_space<vmem>>
        %dma_start3A_311 = tpu.memref_squeeze %dma_start3A_310 : memref<1x128x128xf32, #tpu.memory_space<vmem>> -> memref<128x128xf32, #tpu.memory_space<vmem>>
        %dma_start3A_312 = tpu.memref_slice %arg5[%mul3A_306] : memref<25600xi32, #tpu.memory_space<vmem>> -> memref<128xi32, #tpu.memory_space<vmem>>
        %dma_start3A_313 = arith.constant 0 : i32
        %dma_start3A_314 = arith.constant 0 : i32
        %dma_start3A_315 = tpu.memref_slice %arg2[%dma_start3A_313, %dma_start3A_314] : memref<100000x128xf32, #tpu.memory_space<hbm>> -> memref<100000x128xf32, #tpu.memory_space<hbm>>
        tpu.enqueue_indirect_dma source(%dma_start3A_315 : memref<100000x128xf32, #tpu.memory_space<hbm>>) target(%dma_start3A_311 : memref<128x128xf32, #tpu.memory_space<vmem>>) offsets(%dma_start3A_312 : memref<128xi32, #tpu.memory_space<vmem>>) semaphore(%arg7 : memref<!tpu.dma_semaphore, #tpu.memory_space<semaphore_mem>>)
      } else {
      }
      %mul3A_165 = arith.constant 128 : i32
      %mul3A_166 = arith.muli %add3A_157, %mul3A_165 : i32
      %dma_wait3A_167 = arith.constant 1 : i32
      %dma_wait3A_168 = arith.constant 0 : i32
      %dma_wait3A_169 = arith.constant 0 : i32
      %dma_wait3A_170 = tpu.memref_slice %arg6[%dma_wait3A_167, %dma_wait3A_168, %dma_wait3A_169] : memref<5x128x128xf32, #tpu.memory_space<vmem>> -> memref<1x128x128xf32, #tpu.memory_space<vmem>>
      %dma_wait3A_171 = tpu.memref_squeeze %dma_wait3A_170 : memref<1x128x128xf32, #tpu.memory_space<vmem>> -> memref<128x128xf32, #tpu.memory_space<vmem>>
      %dma_wait3A_172 = tpu.memref_slice %arg5[%mul3A_166] : memref<25600xi32, #tpu.memory_space<vmem>> -> memref<128xi32, #tpu.memory_space<vmem>>
      %dma_wait3A_173 = arith.constant 0 : i32
      %dma_wait3A_174 = arith.constant 0 : i32
      %dma_wait3A_175 = tpu.memref_slice %arg2[%dma_wait3A_173, %dma_wait3A_174] : memref<100000x128xf32, #tpu.memory_space<hbm>> -> memref<100000x128xf32, #tpu.memory_space<hbm>>
      tpu.wait_indirect_dma semaphore(%arg8 : memref<!tpu.dma_semaphore, #tpu.memory_space<semaphore_mem>>) src(%dma_wait3A_175 : memref<100000x128xf32, #tpu.memory_space<hbm>>) dst(%dma_wait3A_171 : memref<128x128xf32, #tpu.memory_space<vmem>>)
      %mul3A_176 = arith.constant 128 : i32
      %mul3A_177 = arith.muli %add3A_157, %mul3A_176 : i32
      %add3A_178 = arith.addi %mul3A_2, %mul3A_177 : i32
      %dma_start3A_179 = arith.constant 1 : i32
      %dma_start3A_180 = arith.constant 0 : i32
      %dma_start3A_181 = arith.constant 0 : i32
      %dma_start3A_182 = tpu.memref_slice %arg6[%dma_start3A_179, %dma_start3A_180, %dma_start3A_181] : memref<5x128x128xf32, #tpu.memory_space<vmem>> -> memref<1x128x128xf32, #tpu.memory_space<vmem>>
      %dma_start3A_183 = tpu.memref_squeeze %dma_start3A_182 : memref<1x128x128xf32, #tpu.memory_space<vmem>> -> memref<128x128xf32, #tpu.memory_space<vmem>>
      %dma_start3A_184 = arith.constant 0 : i32
      %dma_start3A_185 = tpu.memref_slice %arg4[%add3A_178, %dma_start3A_184] : memref<819200x128xf32, #tpu.memory_space<hbm>> -> memref<128x128xf32, #tpu.memory_space<hbm>>
      %dma_start3A_186 = arith.constant 0 : i32
      %dma_start3A_187 = tpu.memref_slice %arg4[%add3A_178, %dma_start3A_186] : memref<819200x128xf32, #tpu.memory_space<hbm>> -> memref<128x128xf32, #tpu.memory_space<hbm>>
      %dma_start3A_188 = arith.constant 0 : i32
      %dma_start3A_189 = arith.constant 0 : i32
      %dma_start3A_190 = tpu.memref_slice %arg6[%dma_start3A_179, %dma_start3A_188, %dma_start3A_189] : memref<5x128x128xf32, #tpu.memory_space<vmem>> -> memref<1x128x128xf32, #tpu.memory_space<vmem>>
      %dma_start3A_191 = tpu.memref_squeeze %dma_start3A_190 : memref<1x128x128xf32, #tpu.memory_space<vmem>> -> memref<128x128xf32, #tpu.memory_space<vmem>>
      tpu.enqueue_dma source(%dma_start3A_191 : memref<128x128xf32, #tpu.memory_space<vmem>>) target(%dma_start3A_187 : memref<128x128xf32, #tpu.memory_space<hbm>>) target_semaphore(%arg13 : memref<!tpu.dma_semaphore, #tpu.memory_space<semaphore_mem>>)
      %add3A_192 = arith.constant 2 : i32
      %add3A_193 = arith.addi %mul3A_122, %add3A_192 : i32
      %add3A_194 = arith.constant 4 : i32
      %add3A_195 = arith.addi %add3A_193, %add3A_194 : i32
      %lt3A_196 = arith.constant 200 : i32
      %lt3A_197 = arith.cmpi slt, %add3A_195, %lt3A_196 : i32
      %convert_element_type3A_198 = arith.extui %lt3A_197 : i1 to i32
      %cond3A_199 = arith.constant 0 : i32
      %cond3A_200 = arith.cmpi ne, %convert_element_type3A_198, %cond3A_199 : i32
      scf.if %cond3A_200 {
        %sub3A = arith.constant 5 : i32
        %sub3A_300 = arith.subi %add3A_195, %sub3A : i32
        %ge3A = arith.constant 0 : i32
        %ge3A_301 = arith.cmpi sge, %sub3A_300, %ge3A : i32
        %convert_element_type3A_302 = arith.extui %ge3A_301 : i1 to i32
        %cond3A_303 = arith.constant 0 : i32
        %cond3A_304 = arith.cmpi ne, %convert_element_type3A_302, %cond3A_303 : i32
        scf.if %cond3A_304 {
          %sub3A_316 = arith.constant 5 : i32
          %sub3A_317 = arith.subi %add3A_195, %sub3A_316 : i32
          %mul3A_318 = arith.constant 128 : i32
          %mul3A_319 = arith.muli %sub3A_317, %mul3A_318 : i32
          %add3A_320 = arith.addi %mul3A_2, %mul3A_319 : i32
          %dma_wait3A_321 = arith.constant 1 : i32
          %dma_wait3A_322 = arith.constant 0 : i32
          %dma_wait3A_323 = arith.constant 0 : i32
          %dma_wait3A_324 = tpu.memref_slice %arg6[%dma_wait3A_321, %dma_wait3A_322, %dma_wait3A_323] : memref<5x128x128xf32, #tpu.memory_space<vmem>> -> memref<1x128x128xf32, #tpu.memory_space<vmem>>
          %dma_wait3A_325 = tpu.memref_squeeze %dma_wait3A_324 : memref<1x128x128xf32, #tpu.memory_space<vmem>> -> memref<128x128xf32, #tpu.memory_space<vmem>>
          %dma_wait3A_326 = arith.constant 0 : i32
          %dma_wait3A_327 = tpu.memref_slice %arg4[%add3A_320, %dma_wait3A_326] : memref<819200x128xf32, #tpu.memory_space<hbm>> -> memref<128x128xf32, #tpu.memory_space<hbm>>
          %dma_wait3A_328 = arith.constant 0 : i32
          %dma_wait3A_329 = tpu.memref_slice %arg4[%add3A_320, %dma_wait3A_328] : memref<819200x128xf32, #tpu.memory_space<hbm>> -> memref<128x128xf32, #tpu.memory_space<hbm>>
          %dma_wait3A_330 = arith.constant 0 : i32
          %dma_wait3A_331 = arith.constant 0 : i32
          %dma_wait3A_332 = tpu.memref_slice %arg6[%dma_wait3A_321, %dma_wait3A_330, %dma_wait3A_331] : memref<5x128x128xf32, #tpu.memory_space<vmem>> -> memref<1x128x128xf32, #tpu.memory_space<vmem>>
          %dma_wait3A_333 = tpu.memref_squeeze %dma_wait3A_332 : memref<1x128x128xf32, #tpu.memory_space<vmem>> -> memref<128x128xf32, #tpu.memory_space<vmem>>
          tpu.wait_dma2 semaphore(%arg13 : memref<!tpu.dma_semaphore, #tpu.memory_space<semaphore_mem>>) src(%dma_wait3A_333 : memref<128x128xf32, #tpu.memory_space<vmem>>) dst(%dma_wait3A_329 : memref<128x128xf32, #tpu.memory_space<hbm>>)
        } else {
        }
        %mul3A_305 = arith.constant 128 : i32
        %mul3A_306 = arith.muli %add3A_195, %mul3A_305 : i32
        %dma_start3A_307 = arith.constant 1 : i32
        %dma_start3A_308 = arith.constant 0 : i32
        %dma_start3A_309 = arith.constant 0 : i32
        %dma_start3A_310 = tpu.memref_slice %arg6[%dma_start3A_307, %dma_start3A_308, %dma_start3A_309] : memref<5x128x128xf32, #tpu.memory_space<vmem>> -> memref<1x128x128xf32, #tpu.memory_space<vmem>>
        %dma_start3A_311 = tpu.memref_squeeze %dma_start3A_310 : memref<1x128x128xf32, #tpu.memory_space<vmem>> -> memref<128x128xf32, #tpu.memory_space<vmem>>
        %dma_start3A_312 = tpu.memref_slice %arg5[%mul3A_306] : memref<25600xi32, #tpu.memory_space<vmem>> -> memref<128xi32, #tpu.memory_space<vmem>>
        %dma_start3A_313 = arith.constant 0 : i32
        %dma_start3A_314 = arith.constant 0 : i32
        %dma_start3A_315 = tpu.memref_slice %arg2[%dma_start3A_313, %dma_start3A_314] : memref<100000x128xf32, #tpu.memory_space<hbm>> -> memref<100000x128xf32, #tpu.memory_space<hbm>>
        tpu.enqueue_indirect_dma source(%dma_start3A_315 : memref<100000x128xf32, #tpu.memory_space<hbm>>) target(%dma_start3A_311 : memref<128x128xf32, #tpu.memory_space<vmem>>) offsets(%dma_start3A_312 : memref<128xi32, #tpu.memory_space<vmem>>) semaphore(%arg8 : memref<!tpu.dma_semaphore, #tpu.memory_space<semaphore_mem>>)
      } else {
      }
      %mul3A_201 = arith.constant 128 : i32
      %mul3A_202 = arith.muli %add3A_193, %mul3A_201 : i32
      %dma_wait3A_203 = arith.constant 2 : i32
      %dma_wait3A_204 = arith.constant 0 : i32
      %dma_wait3A_205 = arith.constant 0 : i32
      %dma_wait3A_206 = tpu.memref_slice %arg6[%dma_wait3A_203, %dma_wait3A_204, %dma_wait3A_205] : memref<5x128x128xf32, #tpu.memory_space<vmem>> -> memref<1x128x128xf32, #tpu.memory_space<vmem>>
      %dma_wait3A_207 = tpu.memref_squeeze %dma_wait3A_206 : memref<1x128x128xf32, #tpu.memory_space<vmem>> -> memref<128x128xf32, #tpu.memory_space<vmem>>
      %dma_wait3A_208 = tpu.memref_slice %arg5[%mul3A_202] : memref<25600xi32, #tpu.memory_space<vmem>> -> memref<128xi32, #tpu.memory_space<vmem>>
      %dma_wait3A_209 = arith.constant 0 : i32
      %dma_wait3A_210 = arith.constant 0 : i32
      %dma_wait3A_211 = tpu.memref_slice %arg2[%dma_wait3A_209, %dma_wait3A_210] : memref<100000x128xf32, #tpu.memory_space<hbm>> -> memref<100000x128xf32, #tpu.memory_space<hbm>>
      tpu.wait_indirect_dma semaphore(%arg9 : memref<!tpu.dma_semaphore, #tpu.memory_space<semaphore_mem>>) src(%dma_wait3A_211 : memref<100000x128xf32, #tpu.memory_space<hbm>>) dst(%dma_wait3A_207 : memref<128x128xf32, #tpu.memory_space<vmem>>)
      %mul3A_212 = arith.constant 128 : i32
      %mul3A_213 = arith.muli %add3A_193, %mul3A_212 : i32
      %add3A_214 = arith.addi %mul3A_2, %mul3A_213 : i32
      %dma_start3A_215 = arith.constant 2 : i32
      %dma_start3A_216 = arith.constant 0 : i32
      %dma_start3A_217 = arith.constant 0 : i32
      %dma_start3A_218 = tpu.memref_slice %arg6[%dma_start3A_215, %dma_start3A_216, %dma_start3A_217] : memref<5x128x128xf32, #tpu.memory_space<vmem>> -> memref<1x128x128xf32, #tpu.memory_space<vmem>>
      %dma_start3A_219 = tpu.memref_squeeze %dma_start3A_218 : memref<1x128x128xf32, #tpu.memory_space<vmem>> -> memref<128x128xf32, #tpu.memory_space<vmem>>
      %dma_start3A_220 = arith.constant 0 : i32
      %dma_start3A_221 = tpu.memref_slice %arg4[%add3A_214, %dma_start3A_220] : memref<819200x128xf32, #tpu.memory_space<hbm>> -> memref<128x128xf32, #tpu.memory_space<hbm>>
      %dma_start3A_222 = arith.constant 0 : i32
      %dma_start3A_223 = tpu.memref_slice %arg4[%add3A_214, %dma_start3A_222] : memref<819200x128xf32, #tpu.memory_space<hbm>> -> memref<128x128xf32, #tpu.memory_space<hbm>>
      %dma_start3A_224 = arith.constant 0 : i32
      %dma_start3A_225 = arith.constant 0 : i32
      %dma_start3A_226 = tpu.memref_slice %arg6[%dma_start3A_215, %dma_start3A_224, %dma_start3A_225] : memref<5x128x128xf32, #tpu.memory_space<vmem>> -> memref<1x128x128xf32, #tpu.memory_space<vmem>>
      %dma_start3A_227 = tpu.memref_squeeze %dma_start3A_226 : memref<1x128x128xf32, #tpu.memory_space<vmem>> -> memref<128x128xf32, #tpu.memory_space<vmem>>
      tpu.enqueue_dma source(%dma_start3A_227 : memref<128x128xf32, #tpu.memory_space<vmem>>) target(%dma_start3A_223 : memref<128x128xf32, #tpu.memory_space<hbm>>) target_semaphore(%arg14 : memref<!tpu.dma_semaphore, #tpu.memory_space<semaphore_mem>>)
      %add3A_228 = arith.constant 3 : i32
      %add3A_229 = arith.addi %mul3A_122, %add3A_228 : i32
      %add3A_230 = arith.constant 4 : i32
      %add3A_231 = arith.addi %add3A_229, %add3A_230 : i32
      %lt3A_232 = arith.constant 200 : i32
      %lt3A_233 = arith.cmpi slt, %add3A_231, %lt3A_232 : i32
      %convert_element_type3A_234 = arith.extui %lt3A_233 : i1 to i32
      %cond3A_235 = arith.constant 0 : i32
      %cond3A_236 = arith.cmpi ne, %convert_element_type3A_234, %cond3A_235 : i32
      scf.if %cond3A_236 {
        %sub3A = arith.constant 5 : i32
        %sub3A_300 = arith.subi %add3A_231, %sub3A : i32
        %ge3A = arith.constant 0 : i32
        %ge3A_301 = arith.cmpi sge, %sub3A_300, %ge3A : i32
        %convert_element_type3A_302 = arith.extui %ge3A_301 : i1 to i32
        %cond3A_303 = arith.constant 0 : i32
        %cond3A_304 = arith.cmpi ne, %convert_element_type3A_302, %cond3A_303 : i32
        scf.if %cond3A_304 {
          %sub3A_316 = arith.constant 5 : i32
          %sub3A_317 = arith.subi %add3A_231, %sub3A_316 : i32
          %mul3A_318 = arith.constant 128 : i32
          %mul3A_319 = arith.muli %sub3A_317, %mul3A_318 : i32
          %add3A_320 = arith.addi %mul3A_2, %mul3A_319 : i32
          %dma_wait3A_321 = arith.constant 2 : i32
          %dma_wait3A_322 = arith.constant 0 : i32
          %dma_wait3A_323 = arith.constant 0 : i32
          %dma_wait3A_324 = tpu.memref_slice %arg6[%dma_wait3A_321, %dma_wait3A_322, %dma_wait3A_323] : memref<5x128x128xf32, #tpu.memory_space<vmem>> -> memref<1x128x128xf32, #tpu.memory_space<vmem>>
          %dma_wait3A_325 = tpu.memref_squeeze %dma_wait3A_324 : memref<1x128x128xf32, #tpu.memory_space<vmem>> -> memref<128x128xf32, #tpu.memory_space<vmem>>
          %dma_wait3A_326 = arith.constant 0 : i32
          %dma_wait3A_327 = tpu.memref_slice %arg4[%add3A_320, %dma_wait3A_326] : memref<819200x128xf32, #tpu.memory_space<hbm>> -> memref<128x128xf32, #tpu.memory_space<hbm>>
          %dma_wait3A_328 = arith.constant 0 : i32
          %dma_wait3A_329 = tpu.memref_slice %arg4[%add3A_320, %dma_wait3A_328] : memref<819200x128xf32, #tpu.memory_space<hbm>> -> memref<128x128xf32, #tpu.memory_space<hbm>>
          %dma_wait3A_330 = arith.constant 0 : i32
          %dma_wait3A_331 = arith.constant 0 : i32
          %dma_wait3A_332 = tpu.memref_slice %arg6[%dma_wait3A_321, %dma_wait3A_330, %dma_wait3A_331] : memref<5x128x128xf32, #tpu.memory_space<vmem>> -> memref<1x128x128xf32, #tpu.memory_space<vmem>>
          %dma_wait3A_333 = tpu.memref_squeeze %dma_wait3A_332 : memref<1x128x128xf32, #tpu.memory_space<vmem>> -> memref<128x128xf32, #tpu.memory_space<vmem>>
          tpu.wait_dma2 semaphore(%arg14 : memref<!tpu.dma_semaphore, #tpu.memory_space<semaphore_mem>>) src(%dma_wait3A_333 : memref<128x128xf32, #tpu.memory_space<vmem>>) dst(%dma_wait3A_329 : memref<128x128xf32, #tpu.memory_space<hbm>>)
        } else {
        }
        %mul3A_305 = arith.constant 128 : i32
        %mul3A_306 = arith.muli %add3A_231, %mul3A_305 : i32
        %dma_start3A_307 = arith.constant 2 : i32
        %dma_start3A_308 = arith.constant 0 : i32
        %dma_start3A_309 = arith.constant 0 : i32
        %dma_start3A_310 = tpu.memref_slice %arg6[%dma_start3A_307, %dma_start3A_308, %dma_start3A_309] : memref<5x128x128xf32, #tpu.memory_space<vmem>> -> memref<1x128x128xf32, #tpu.memory_space<vmem>>
        %dma_start3A_311 = tpu.memref_squeeze %dma_start3A_310 : memref<1x128x128xf32, #tpu.memory_space<vmem>> -> memref<128x128xf32, #tpu.memory_space<vmem>>
        %dma_start3A_312 = tpu.memref_slice %arg5[%mul3A_306] : memref<25600xi32, #tpu.memory_space<vmem>> -> memref<128xi32, #tpu.memory_space<vmem>>
        %dma_start3A_313 = arith.constant 0 : i32
        %dma_start3A_314 = arith.constant 0 : i32
        %dma_start3A_315 = tpu.memref_slice %arg2[%dma_start3A_313, %dma_start3A_314] : memref<100000x128xf32, #tpu.memory_space<hbm>> -> memref<100000x128xf32, #tpu.memory_space<hbm>>
        tpu.enqueue_indirect_dma source(%dma_start3A_315 : memref<100000x128xf32, #tpu.memory_space<hbm>>) target(%dma_start3A_311 : memref<128x128xf32, #tpu.memory_space<vmem>>) offsets(%dma_start3A_312 : memref<128xi32, #tpu.memory_space<vmem>>) semaphore(%arg9 : memref<!tpu.dma_semaphore, #tpu.memory_space<semaphore_mem>>)
      } else {
      }
      %mul3A_237 = arith.constant 128 : i32
      %mul3A_238 = arith.muli %add3A_229, %mul3A_237 : i32
      %dma_wait3A_239 = arith.constant 3 : i32
      %dma_wait3A_240 = arith.constant 0 : i32
      %dma_wait3A_241 = arith.constant 0 : i32
      %dma_wait3A_242 = tpu.memref_slice %arg6[%dma_wait3A_239, %dma_wait3A_240, %dma_wait3A_241] : memref<5x128x128xf32, #tpu.memory_space<vmem>> -> memref<1x128x128xf32, #tpu.memory_space<vmem>>
      %dma_wait3A_243 = tpu.memref_squeeze %dma_wait3A_242 : memref<1x128x128xf32, #tpu.memory_space<vmem>> -> memref<128x128xf32, #tpu.memory_space<vmem>>
      %dma_wait3A_244 = tpu.memref_slice %arg5[%mul3A_238] : memref<25600xi32, #tpu.memory_space<vmem>> -> memref<128xi32, #tpu.memory_space<vmem>>
      %dma_wait3A_245 = arith.constant 0 : i32
      %dma_wait3A_246 = arith.constant 0 : i32
      %dma_wait3A_247 = tpu.memref_slice %arg2[%dma_wait3A_245, %dma_wait3A_246] : memref<100000x128xf32, #tpu.memory_space<hbm>> -> memref<100000x128xf32, #tpu.memory_space<hbm>>
      tpu.wait_indirect_dma semaphore(%arg10 : memref<!tpu.dma_semaphore, #tpu.memory_space<semaphore_mem>>) src(%dma_wait3A_247 : memref<100000x128xf32, #tpu.memory_space<hbm>>) dst(%dma_wait3A_243 : memref<128x128xf32, #tpu.memory_space<vmem>>)
      %mul3A_248 = arith.constant 128 : i32
      %mul3A_249 = arith.muli %add3A_229, %mul3A_248 : i32
      %add3A_250 = arith.addi %mul3A_2, %mul3A_249 : i32
      %dma_start3A_251 = arith.constant 3 : i32
      %dma_start3A_252 = arith.constant 0 : i32
      %dma_start3A_253 = arith.constant 0 : i32
      %dma_start3A_254 = tpu.memref_slice %arg6[%dma_start3A_251, %dma_start3A_252, %dma_start3A_253] : memref<5x128x128xf32, #tpu.memory_space<vmem>> -> memref<1x128x128xf32, #tpu.memory_space<vmem>>
      %dma_start3A_255 = tpu.memref_squeeze %dma_start3A_254 : memref<1x128x128xf32, #tpu.memory_space<vmem>> -> memref<128x128xf32, #tpu.memory_space<vmem>>
      %dma_start3A_256 = arith.constant 0 : i32
      %dma_start3A_257 = tpu.memref_slice %arg4[%add3A_250, %dma_start3A_256] : memref<819200x128xf32, #tpu.memory_space<hbm>> -> memref<128x128xf32, #tpu.memory_space<hbm>>
      %dma_start3A_258 = arith.constant 0 : i32
      %dma_start3A_259 = tpu.memref_slice %arg4[%add3A_250, %dma_start3A_258] : memref<819200x128xf32, #tpu.memory_space<hbm>> -> memref<128x128xf32, #tpu.memory_space<hbm>>
      %dma_start3A_260 = arith.constant 0 : i32
      %dma_start3A_261 = arith.constant 0 : i32
      %dma_start3A_262 = tpu.memref_slice %arg6[%dma_start3A_251, %dma_start3A_260, %dma_start3A_261] : memref<5x128x128xf32, #tpu.memory_space<vmem>> -> memref<1x128x128xf32, #tpu.memory_space<vmem>>
      %dma_start3A_263 = tpu.memref_squeeze %dma_start3A_262 : memref<1x128x128xf32, #tpu.memory_space<vmem>> -> memref<128x128xf32, #tpu.memory_space<vmem>>
      tpu.enqueue_dma source(%dma_start3A_263 : memref<128x128xf32, #tpu.memory_space<vmem>>) target(%dma_start3A_259 : memref<128x128xf32, #tpu.memory_space<hbm>>) target_semaphore(%arg15 : memref<!tpu.dma_semaphore, #tpu.memory_space<semaphore_mem>>)
      %add3A_264 = arith.constant 4 : i32
      %add3A_265 = arith.addi %mul3A_122, %add3A_264 : i32
      %add3A_266 = arith.constant 4 : i32
      %add3A_267 = arith.addi %add3A_265, %add3A_266 : i32
      %lt3A_268 = arith.constant 200 : i32
      %lt3A_269 = arith.cmpi slt, %add3A_267, %lt3A_268 : i32
      %convert_element_type3A_270 = arith.extui %lt3A_269 : i1 to i32
      %cond3A_271 = arith.constant 0 : i32
      %cond3A_272 = arith.cmpi ne, %convert_element_type3A_270, %cond3A_271 : i32
      scf.if %cond3A_272 {
        %sub3A = arith.constant 5 : i32
        %sub3A_300 = arith.subi %add3A_267, %sub3A : i32
        %ge3A = arith.constant 0 : i32
        %ge3A_301 = arith.cmpi sge, %sub3A_300, %ge3A : i32
        %convert_element_type3A_302 = arith.extui %ge3A_301 : i1 to i32
        %cond3A_303 = arith.constant 0 : i32
        %cond3A_304 = arith.cmpi ne, %convert_element_type3A_302, %cond3A_303 : i32
        scf.if %cond3A_304 {
          %sub3A_316 = arith.constant 5 : i32
          %sub3A_317 = arith.subi %add3A_267, %sub3A_316 : i32
          %mul3A_318 = arith.constant 128 : i32
          %mul3A_319 = arith.muli %sub3A_317, %mul3A_318 : i32
          %add3A_320 = arith.addi %mul3A_2, %mul3A_319 : i32
          %dma_wait3A_321 = arith.constant 3 : i32
          %dma_wait3A_322 = arith.constant 0 : i32
          %dma_wait3A_323 = arith.constant 0 : i32
          %dma_wait3A_324 = tpu.memref_slice %arg6[%dma_wait3A_321, %dma_wait3A_322, %dma_wait3A_323] : memref<5x128x128xf32, #tpu.memory_space<vmem>> -> memref<1x128x128xf32, #tpu.memory_space<vmem>>
          %dma_wait3A_325 = tpu.memref_squeeze %dma_wait3A_324 : memref<1x128x128xf32, #tpu.memory_space<vmem>> -> memref<128x128xf32, #tpu.memory_space<vmem>>
          %dma_wait3A_326 = arith.constant 0 : i32
          %dma_wait3A_327 = tpu.memref_slice %arg4[%add3A_320, %dma_wait3A_326] : memref<819200x128xf32, #tpu.memory_space<hbm>> -> memref<128x128xf32, #tpu.memory_space<hbm>>
          %dma_wait3A_328 = arith.constant 0 : i32
          %dma_wait3A_329 = tpu.memref_slice %arg4[%add3A_320, %dma_wait3A_328] : memref<819200x128xf32, #tpu.memory_space<hbm>> -> memref<128x128xf32, #tpu.memory_space<hbm>>
          %dma_wait3A_330 = arith.constant 0 : i32
          %dma_wait3A_331 = arith.constant 0 : i32
          %dma_wait3A_332 = tpu.memref_slice %arg6[%dma_wait3A_321, %dma_wait3A_330, %dma_wait3A_331] : memref<5x128x128xf32, #tpu.memory_space<vmem>> -> memref<1x128x128xf32, #tpu.memory_space<vmem>>
          %dma_wait3A_333 = tpu.memref_squeeze %dma_wait3A_332 : memref<1x128x128xf32, #tpu.memory_space<vmem>> -> memref<128x128xf32, #tpu.memory_space<vmem>>
          tpu.wait_dma2 semaphore(%arg15 : memref<!tpu.dma_semaphore, #tpu.memory_space<semaphore_mem>>) src(%dma_wait3A_333 : memref<128x128xf32, #tpu.memory_space<vmem>>) dst(%dma_wait3A_329 : memref<128x128xf32, #tpu.memory_space<hbm>>)
        } else {
        }
        %mul3A_305 = arith.constant 128 : i32
        %mul3A_306 = arith.muli %add3A_267, %mul3A_305 : i32
        %dma_start3A_307 = arith.constant 3 : i32
        %dma_start3A_308 = arith.constant 0 : i32
        %dma_start3A_309 = arith.constant 0 : i32
        %dma_start3A_310 = tpu.memref_slice %arg6[%dma_start3A_307, %dma_start3A_308, %dma_start3A_309] : memref<5x128x128xf32, #tpu.memory_space<vmem>> -> memref<1x128x128xf32, #tpu.memory_space<vmem>>
        %dma_start3A_311 = tpu.memref_squeeze %dma_start3A_310 : memref<1x128x128xf32, #tpu.memory_space<vmem>> -> memref<128x128xf32, #tpu.memory_space<vmem>>
        %dma_start3A_312 = tpu.memref_slice %arg5[%mul3A_306] : memref<25600xi32, #tpu.memory_space<vmem>> -> memref<128xi32, #tpu.memory_space<vmem>>
        %dma_start3A_313 = arith.constant 0 : i32
        %dma_start3A_314 = arith.constant 0 : i32
        %dma_start3A_315 = tpu.memref_slice %arg2[%dma_start3A_313, %dma_start3A_314] : memref<100000x128xf32, #tpu.memory_space<hbm>> -> memref<100000x128xf32, #tpu.memory_space<hbm>>
        tpu.enqueue_indirect_dma source(%dma_start3A_315 : memref<100000x128xf32, #tpu.memory_space<hbm>>) target(%dma_start3A_311 : memref<128x128xf32, #tpu.memory_space<vmem>>) offsets(%dma_start3A_312 : memref<128xi32, #tpu.memory_space<vmem>>) semaphore(%arg10 : memref<!tpu.dma_semaphore, #tpu.memory_space<semaphore_mem>>)
      } else {
      }
      %mul3A_273 = arith.constant 128 : i32
      %mul3A_274 = arith.muli %add3A_265, %mul3A_273 : i32
      %dma_wait3A_275 = arith.constant 4 : i32
      %dma_wait3A_276 = arith.constant 0 : i32
      %dma_wait3A_277 = arith.constant 0 : i32
      %dma_wait3A_278 = tpu.memref_slice %arg6[%dma_wait3A_275, %dma_wait3A_276, %dma_wait3A_277] : memref<5x128x128xf32, #tpu.memory_space<vmem>> -> memref<1x128x128xf32, #tpu.memory_space<vmem>>
      %dma_wait3A_279 = tpu.memref_squeeze %dma_wait3A_278 : memref<1x128x128xf32, #tpu.memory_space<vmem>> -> memref<128x128xf32, #tpu.memory_space<vmem>>
      %dma_wait3A_280 = tpu.memref_slice %arg5[%mul3A_274] : memref<25600xi32, #tpu.memory_space<vmem>> -> memref<128xi32, #tpu.memory_space<vmem>>
      %dma_wait3A_281 = arith.constant 0 : i32
      %dma_wait3A_282 = arith.constant 0 : i32
      %dma_wait3A_283 = tpu.memref_slice %arg2[%dma_wait3A_281, %dma_wait3A_282] : memref<100000x128xf32, #tpu.memory_space<hbm>> -> memref<100000x128xf32, #tpu.memory_space<hbm>>
      tpu.wait_indirect_dma semaphore(%arg11 : memref<!tpu.dma_semaphore, #tpu.memory_space<semaphore_mem>>) src(%dma_wait3A_283 : memref<100000x128xf32, #tpu.memory_space<hbm>>) dst(%dma_wait3A_279 : memref<128x128xf32, #tpu.memory_space<vmem>>)
      %mul3A_284 = arith.constant 128 : i32
      %mul3A_285 = arith.muli %add3A_265, %mul3A_284 : i32
      %add3A_286 = arith.addi %mul3A_2, %mul3A_285 : i32
      %dma_start3A_287 = arith.constant 4 : i32
      %dma_start3A_288 = arith.constant 0 : i32
      %dma_start3A_289 = arith.constant 0 : i32
      %dma_start3A_290 = tpu.memref_slice %arg6[%dma_start3A_287, %dma_start3A_288, %dma_start3A_289] : memref<5x128x128xf32, #tpu.memory_space<vmem>> -> memref<1x128x128xf32, #tpu.memory_space<vmem>>
      %dma_start3A_291 = tpu.memref_squeeze %dma_start3A_290 : memref<1x128x128xf32, #tpu.memory_space<vmem>> -> memref<128x128xf32, #tpu.memory_space<vmem>>
      %dma_start3A_292 = arith.constant 0 : i32
      %dma_start3A_293 = tpu.memref_slice %arg4[%add3A_286, %dma_start3A_292] : memref<819200x128xf32, #tpu.memory_space<hbm>> -> memref<128x128xf32, #tpu.memory_space<hbm>>
      %dma_start3A_294 = arith.constant 0 : i32
      %dma_start3A_295 = tpu.memref_slice %arg4[%add3A_286, %dma_start3A_294] : memref<819200x128xf32, #tpu.memory_space<hbm>> -> memref<128x128xf32, #tpu.memory_space<hbm>>
      %dma_start3A_296 = arith.constant 0 : i32
      %dma_start3A_297 = arith.constant 0 : i32
      %dma_start3A_298 = tpu.memref_slice %arg6[%dma_start3A_287, %dma_start3A_296, %dma_start3A_297] : memref<5x128x128xf32, #tpu.memory_space<vmem>> -> memref<1x128x128xf32, #tpu.memory_space<vmem>>
      %dma_start3A_299 = tpu.memref_squeeze %dma_start3A_298 : memref<1x128x128xf32, #tpu.memory_space<vmem>> -> memref<128x128xf32, #tpu.memory_space<vmem>>
      tpu.enqueue_dma source(%dma_start3A_299 : memref<128x128xf32, #tpu.memory_space<vmem>>) target(%dma_start3A_295 : memref<128x128xf32, #tpu.memory_space<hbm>>) target_semaphore(%arg16 : memref<!tpu.dma_semaphore, #tpu.memory_space<semaphore_mem>>)
    }
    %scan3A_45 = arith.constant 40 : i32
    %add3A_46 = arith.constant 24960 : i32
    %add3A_47 = arith.addi %mul3A_2, %add3A_46 : i32
    %dma_wait3A = arith.constant 0 : i32
    %dma_wait3A_48 = arith.constant 0 : i32
    %dma_wait3A_49 = arith.constant 0 : i32
    %dma_wait3A_50 = tpu.memref_slice %arg6[%dma_wait3A, %dma_wait3A_48, %dma_wait3A_49] : memref<5x128x128xf32, #tpu.memory_space<vmem>> -> memref<1x128x128xf32, #tpu.memory_space<vmem>>
    %dma_wait3A_51 = tpu.memref_squeeze %dma_wait3A_50 : memref<1x128x128xf32, #tpu.memory_space<vmem>> -> memref<128x128xf32, #tpu.memory_space<vmem>>
    %dma_wait3A_52 = arith.constant 0 : i32
    %dma_wait3A_53 = tpu.memref_slice %arg4[%add3A_47, %dma_wait3A_52] : memref<819200x128xf32, #tpu.memory_space<hbm>> -> memref<128x128xf32, #tpu.memory_space<hbm>>
    %dma_wait3A_54 = arith.constant 0 : i32
    %dma_wait3A_55 = tpu.memref_slice %arg4[%add3A_47, %dma_wait3A_54] : memref<819200x128xf32, #tpu.memory_space<hbm>> -> memref<128x128xf32, #tpu.memory_space<hbm>>
    %dma_wait3A_56 = arith.constant 0 : i32
    %dma_wait3A_57 = arith.constant 0 : i32
    %dma_wait3A_58 = tpu.memref_slice %arg6[%dma_wait3A, %dma_wait3A_56, %dma_wait3A_57] : memref<5x128x128xf32, #tpu.memory_space<vmem>> -> memref<1x128x128xf32, #tpu.memory_space<vmem>>
    %dma_wait3A_59 = tpu.memref_squeeze %dma_wait3A_58 : memref<1x128x128xf32, #tpu.memory_space<vmem>> -> memref<128x128xf32, #tpu.memory_space<vmem>>
    tpu.wait_dma2 semaphore(%arg12 : memref<!tpu.dma_semaphore, #tpu.memory_space<semaphore_mem>>) src(%dma_wait3A_59 : memref<128x128xf32, #tpu.memory_space<vmem>>) dst(%dma_wait3A_55 : memref<128x128xf32, #tpu.memory_space<hbm>>)
    %add3A_60 = arith.constant 25088 : i32
    %add3A_61 = arith.addi %mul3A_2, %add3A_60 : i32
    %dma_wait3A_62 = arith.constant 1 : i32
    %dma_wait3A_63 = arith.constant 0 : i32
    %dma_wait3A_64 = arith.constant 0 : i32
    %dma_wait3A_65 = tpu.memref_slice %arg6[%dma_wait3A_62, %dma_wait3A_63, %dma_wait3A_64] : memref<5x128x128xf32, #tpu.memory_space<vmem>> -> memref<1x128x128xf32, #tpu.memory_space<vmem>>
    %dma_wait3A_66 = tpu.memref_squeeze %dma_wait3A_65 : memref<1x128x128xf32, #tpu.memory_space<vmem>> -> memref<128x128xf32, #tpu.memory_space<vmem>>
    %dma_wait3A_67 = arith.constant 0 : i32
    %dma_wait3A_68 = tpu.memref_slice %arg4[%add3A_61, %dma_wait3A_67] : memref<819200x128xf32, #tpu.memory_space<hbm>> -> memref<128x128xf32, #tpu.memory_space<hbm>>
    %dma_wait3A_69 = arith.constant 0 : i32
    %dma_wait3A_70 = tpu.memref_slice %arg4[%add3A_61, %dma_wait3A_69] : memref<819200x128xf32, #tpu.memory_space<hbm>> -> memref<128x128xf32, #tpu.memory_space<hbm>>
    %dma_wait3A_71 = arith.constant 0 : i32
    %dma_wait3A_72 = arith.constant 0 : i32
    %dma_wait3A_73 = tpu.memref_slice %arg6[%dma_wait3A_62, %dma_wait3A_71, %dma_wait3A_72] : memref<5x128x128xf32, #tpu.memory_space<vmem>> -> memref<1x128x128xf32, #tpu.memory_space<vmem>>
    %dma_wait3A_74 = tpu.memref_squeeze %dma_wait3A_73 : memref<1x128x128xf32, #tpu.memory_space<vmem>> -> memref<128x128xf32, #tpu.memory_space<vmem>>
    tpu.wait_dma2 semaphore(%arg13 : memref<!tpu.dma_semaphore, #tpu.memory_space<semaphore_mem>>) src(%dma_wait3A_74 : memref<128x128xf32, #tpu.memory_space<vmem>>) dst(%dma_wait3A_70 : memref<128x128xf32, #tpu.memory_space<hbm>>)
    %add3A_75 = arith.constant 25216 : i32
    %add3A_76 = arith.addi %mul3A_2, %add3A_75 : i32
    %dma_wait3A_77 = arith.constant 2 : i32
    %dma_wait3A_78 = arith.constant 0 : i32
    %dma_wait3A_79 = arith.constant 0 : i32
    %dma_wait3A_80 = tpu.memref_slice %arg6[%dma_wait3A_77, %dma_wait3A_78, %dma_wait3A_79] : memref<5x128x128xf32, #tpu.memory_space<vmem>> -> memref<1x128x128xf32, #tpu.memory_space<vmem>>
    %dma_wait3A_81 = tpu.memref_squeeze %dma_wait3A_80 : memref<1x128x128xf32, #tpu.memory_space<vmem>> -> memref<128x128xf32, #tpu.memory_space<vmem>>
    %dma_wait3A_82 = arith.constant 0 : i32
    %dma_wait3A_83 = tpu.memref_slice %arg4[%add3A_76, %dma_wait3A_82] : memref<819200x128xf32, #tpu.memory_space<hbm>> -> memref<128x128xf32, #tpu.memory_space<hbm>>
    %dma_wait3A_84 = arith.constant 0 : i32
    %dma_wait3A_85 = tpu.memref_slice %arg4[%add3A_76, %dma_wait3A_84] : memref<819200x128xf32, #tpu.memory_space<hbm>> -> memref<128x128xf32, #tpu.memory_space<hbm>>
    %dma_wait3A_86 = arith.constant 0 : i32
    %dma_wait3A_87 = arith.constant 0 : i32
    %dma_wait3A_88 = tpu.memref_slice %arg6[%dma_wait3A_77, %dma_wait3A_86, %dma_wait3A_87] : memref<5x128x128xf32, #tpu.memory_space<vmem>> -> memref<1x128x128xf32, #tpu.memory_space<vmem>>
    %dma_wait3A_89 = tpu.memref_squeeze %dma_wait3A_88 : memref<1x128x128xf32, #tpu.memory_space<vmem>> -> memref<128x128xf32, #tpu.memory_space<vmem>>
    tpu.wait_dma2 semaphore(%arg14 : memref<!tpu.dma_semaphore, #tpu.memory_space<semaphore_mem>>) src(%dma_wait3A_89 : memref<128x128xf32, #tpu.memory_space<vmem>>) dst(%dma_wait3A_85 : memref<128x128xf32, #tpu.memory_space<hbm>>)
    %add3A_90 = arith.constant 25344 : i32
    %add3A_91 = arith.addi %mul3A_2, %add3A_90 : i32
    %dma_wait3A_92 = arith.constant 3 : i32
    %dma_wait3A_93 = arith.constant 0 : i32
    %dma_wait3A_94 = arith.constant 0 : i32
    %dma_wait3A_95 = tpu.memref_slice %arg6[%dma_wait3A_92, %dma_wait3A_93, %dma_wait3A_94] : memref<5x128x128xf32, #tpu.memory_space<vmem>> -> memref<1x128x128xf32, #tpu.memory_space<vmem>>
    %dma_wait3A_96 = tpu.memref_squeeze %dma_wait3A_95 : memref<1x128x128xf32, #tpu.memory_space<vmem>> -> memref<128x128xf32, #tpu.memory_space<vmem>>
    %dma_wait3A_97 = arith.constant 0 : i32
    %dma_wait3A_98 = tpu.memref_slice %arg4[%add3A_91, %dma_wait3A_97] : memref<819200x128xf32, #tpu.memory_space<hbm>> -> memref<128x128xf32, #tpu.memory_space<hbm>>
    %dma_wait3A_99 = arith.constant 0 : i32
    %dma_wait3A_100 = tpu.memref_slice %arg4[%add3A_91, %dma_wait3A_99] : memref<819200x128xf32, #tpu.memory_space<hbm>> -> memref<128x128xf32, #tpu.memory_space<hbm>>
    %dma_wait3A_101 = arith.constant 0 : i32
    %dma_wait3A_102 = arith.constant 0 : i32
    %dma_wait3A_103 = tpu.memref_slice %arg6[%dma_wait3A_92, %dma_wait3A_101, %dma_wait3A_102] : memref<5x128x128xf32, #tpu.memory_space<vmem>> -> memref<1x128x128xf32, #tpu.memory_space<vmem>>
    %dma_wait3A_104 = tpu.memref_squeeze %dma_wait3A_103 : memref<1x128x128xf32, #tpu.memory_space<vmem>> -> memref<128x128xf32, #tpu.memory_space<vmem>>
    tpu.wait_dma2 semaphore(%arg15 : memref<!tpu.dma_semaphore, #tpu.memory_space<semaphore_mem>>) src(%dma_wait3A_104 : memref<128x128xf32, #tpu.memory_space<vmem>>) dst(%dma_wait3A_100 : memref<128x128xf32, #tpu.memory_space<hbm>>)
    %add3A_105 = arith.constant 25472 : i32
    %add3A_106 = arith.addi %mul3A_2, %add3A_105 : i32
    %dma_wait3A_107 = arith.constant 4 : i32
    %dma_wait3A_108 = arith.constant 0 : i32
    %dma_wait3A_109 = arith.constant 0 : i32
    %dma_wait3A_110 = tpu.memref_slice %arg6[%dma_wait3A_107, %dma_wait3A_108, %dma_wait3A_109] : memref<5x128x128xf32, #tpu.memory_space<vmem>> -> memref<1x128x128xf32, #tpu.memory_space<vmem>>
    %dma_wait3A_111 = tpu.memref_squeeze %dma_wait3A_110 : memref<1x128x128xf32, #tpu.memory_space<vmem>> -> memref<128x128xf32, #tpu.memory_space<vmem>>
    %dma_wait3A_112 = arith.constant 0 : i32
    %dma_wait3A_113 = tpu.memref_slice %arg4[%add3A_106, %dma_wait3A_112] : memref<819200x128xf32, #tpu.memory_space<hbm>> -> memref<128x128xf32, #tpu.memory_space<hbm>>
    %dma_wait3A_114 = arith.constant 0 : i32
    %dma_wait3A_115 = tpu.memref_slice %arg4[%add3A_106, %dma_wait3A_114] : memref<819200x128xf32, #tpu.memory_space<hbm>> -> memref<128x128xf32, #tpu.memory_space<hbm>>
    %dma_wait3A_116 = arith.constant 0 : i32
    %dma_wait3A_117 = arith.constant 0 : i32
    %dma_wait3A_118 = tpu.memref_slice %arg6[%dma_wait3A_107, %dma_wait3A_116, %dma_wait3A_117] : memref<5x128x128xf32, #tpu.memory_space<vmem>> -> memref<1x128x128xf32, #tpu.memory_space<vmem>>
    %dma_wait3A_119 = tpu.memref_squeeze %dma_wait3A_118 : memref<1x128x128xf32, #tpu.memory_space<vmem>> -> memref<128x128xf32, #tpu.memory_space<vmem>>
    tpu.wait_dma2 semaphore(%arg16 : memref<!tpu.dma_semaphore, #tpu.memory_space<semaphore_mem>>) src(%dma_wait3A_119 : memref<128x128xf32, #tpu.memory_space<vmem>>) dst(%dma_wait3A_115 : memref<128x128xf32, #tpu.memory_space<hbm>>)
    return
  }
}

#map = affine_map<(d0, d1) -> (0, 0)>
#map1 = affine_map<(d0, d1) -> (0)>
module attributes {stable_mosaic.version = 14 : i64} {
  func.func @k(%arg0: i32, %arg1: i32, %arg2: memref<4096x200xi32, #tpu.memory_space<hbm>>, %arg3: memref<21128xi32, #tpu.memory_space<hbm>>, %arg4: memref<819200xi32, #tpu.memory_space<hbm>>, %arg5: memref<128x200xi32, #tpu.memory_space<vmem>>, %arg6: memref<21128xi32, #tpu.memory_space<vmem>>, %arg7: memref<25600xi32, #tpu.memory_space<vmem>>, %arg8: memref<!tpu.dma_semaphore, #tpu.memory_space<semaphore_mem>>) attributes {dimension_semantics = [#tpu.dimension_semantics<core_parallel>, #tpu.dimension_semantics<subcore_parallel>], iteration_bounds = array<i64: 2, 16>, scalar_prefetch = 0 : i64, scratch_operands = 4 : i64, tpu.core_type = #tpu.core_type<sc_vector_subcore>, window_params = [{transform_indices = #map}, {transform_indices = #map1}, {transform_indices = #map1}]} {
    %mul3A = arith.constant 2 : i32
    %mul3A_0 = arith.muli %arg1, %mul3A : i32
    %add3A = arith.addi %mul3A_0, %arg0 : i32
    tpu.enqueue_dma source(%arg3 : memref<21128xi32, #tpu.memory_space<hbm>>) target(%arg6 : memref<21128xi32, #tpu.memory_space<vmem>>) target_semaphore(%arg8 : memref<!tpu.dma_semaphore, #tpu.memory_space<semaphore_mem>>)
    %mul3A_1 = arith.constant 128 : i32
    %mul3A_2 = arith.muli %add3A, %mul3A_1 : i32
    "tpu.region"() ({
      %run_scoped3A = tpu.sem_alloc : memref<!tpu.dma_semaphore, #tpu.memory_space<semaphore_mem>>
      %dma_start3A = arith.constant 0 : i32
      %dma_start3A_9 = tpu.memref_slice %arg2[%mul3A_2, %dma_start3A] : memref<4096x200xi32, #tpu.memory_space<hbm>> -> memref<128x200xi32, #tpu.memory_space<hbm>>
      %dma_start3A_10 = arith.constant 0 : i32
      %dma_start3A_11 = tpu.memref_slice %arg2[%mul3A_2, %dma_start3A_10] : memref<4096x200xi32, #tpu.memory_space<hbm>> -> memref<128x200xi32, #tpu.memory_space<hbm>>
      tpu.enqueue_dma source(%dma_start3A_11 : memref<128x200xi32, #tpu.memory_space<hbm>>) target(%arg5 : memref<128x200xi32, #tpu.memory_space<vmem>>) target_semaphore(%run_scoped3A : memref<!tpu.dma_semaphore, #tpu.memory_space<semaphore_mem>>)
      %dma_wait3A = arith.constant 0 : i32
      %dma_wait3A_12 = tpu.memref_slice %arg2[%mul3A_2, %dma_wait3A] : memref<4096x200xi32, #tpu.memory_space<hbm>> -> memref<128x200xi32, #tpu.memory_space<hbm>>
      %dma_wait3A_13 = arith.constant 0 : i32
      %dma_wait3A_14 = tpu.memref_slice %arg2[%mul3A_2, %dma_wait3A_13] : memref<4096x200xi32, #tpu.memory_space<hbm>> -> memref<128x200xi32, #tpu.memory_space<hbm>>
      tpu.wait_dma2 semaphore(%run_scoped3A : memref<!tpu.dma_semaphore, #tpu.memory_space<semaphore_mem>>) src(%dma_wait3A_14 : memref<128x200xi32, #tpu.memory_space<hbm>>) dst(%arg5 : memref<128x200xi32, #tpu.memory_space<vmem>>)
      tpu.yield
    }) : () -> ()
    tpu.wait_dma2 semaphore(%arg8 : memref<!tpu.dma_semaphore, #tpu.memory_space<semaphore_mem>>) src(%arg3 : memref<21128xi32, #tpu.memory_space<hbm>>) dst(%arg6 : memref<21128xi32, #tpu.memory_space<vmem>>)
    %scan3A = arith.constant 0 : i32
    %scan3A_3 = arith.constant 1600 : i32
    %scan3A_4 = arith.addi %scan3A, %scan3A_3 : i32
    %scan3A_5 = arith.constant 1 : i32
    scf.for %scan3A_9 = %scan3A to %scan3A_4 step %scan3A_5  : i32 {
      %mul3A_10 = arith.constant 16 : i32
      %mul3A_11 = arith.muli %scan3A_9, %mul3A_10 : i32
      %iota3A = tpu.iota {dimensions = array<i32: 0>} : vector<16xi32>
      %add3A_12 = vector.broadcast %mul3A_11 : i32 to vector<16xi32>
      %add3A_13 = arith.addi %add3A_12, %iota3A : vector<16xi32>
      %jit3A = arith.constant 200 : i32
      %div3A = vector.broadcast %jit3A : i32 to vector<16xi32>
      %div3A_14 = arith.divsi %add3A_13, %div3A : vector<16xi32>
      %sign3A = arith.constant 0 : i32
      %sign3A_15 = vector.broadcast %sign3A : i32 to vector<16xi32>
      %sign3A_16 = arith.cmpi sgt, %add3A_13, %sign3A_15 : vector<16xi32>
      %sign3A_17 = arith.extui %sign3A_16 : vector<16xi1> to vector<16xi32>
      %sign3A_18 = arith.constant 0 : i32
      %sign3A_19 = vector.broadcast %sign3A_18 : i32 to vector<16xi32>
      %sign3A_20 = arith.cmpi slt, %add3A_13, %sign3A_19 : vector<16xi32>
      %sign3A_21 = arith.extui %sign3A_20 : vector<16xi1> to vector<16xi32>
      %sign3A_22 = arith.subi %sign3A_17, %sign3A_21 : vector<16xi32>
      %sign3A_23 = arith.constant 0 : i32
      %sign3A_24 = arith.cmpi sgt, %jit3A, %sign3A_23 : i32
      %sign3A_25 = arith.extui %sign3A_24 : i1 to i32
      %sign3A_26 = arith.constant 0 : i32
      %sign3A_27 = arith.cmpi slt, %jit3A, %sign3A_26 : i32
      %sign3A_28 = arith.extui %sign3A_27 : i1 to i32
      %sign3A_29 = arith.subi %sign3A_25, %sign3A_28 : i32
      %ne3A = vector.broadcast %sign3A_29 : i32 to vector<16xi32>
      %ne3A_30 = arith.cmpi ne, %sign3A_22, %ne3A : vector<16xi32>
      %rem3A = vector.broadcast %jit3A : i32 to vector<16xi32>
      %rem3A_31 = arith.remsi %add3A_13, %rem3A : vector<16xi32>
      %ne3A_32 = arith.constant 0 : i32
      %ne3A_33 = vector.broadcast %ne3A_32 : i32 to vector<16xi32>
      %ne3A_34 = arith.cmpi ne, %rem3A_31, %ne3A_33 : vector<16xi32>
      %and3A = arith.andi %ne3A_30, %ne3A_34 : vector<16xi1>
      %sub3A = arith.constant 1 : i32
      %sub3A_35 = vector.broadcast %sub3A : i32 to vector<16xi32>
      %sub3A_36 = arith.subi %div3A_14, %sub3A_35 : vector<16xi32>
      %select_n3A = arith.select %and3A, %sub3A_36, %div3A_14 : vector<16xi1>, vector<16xi32>
      %mul3A_37 = arith.constant 200 : i32
      %mul3A_38 = vector.broadcast %mul3A_37 : i32 to vector<16xi32>
      %mul3A_39 = arith.muli %select_n3A, %mul3A_38 : vector<16xi32>
      %sub3A_40 = arith.subi %add3A_13, %mul3A_39 : vector<16xi32>
      %gather3A = tpu.vector_load_idx %arg5[%select_n3A, %sub3A_40] : memref<128x200xi32, #tpu.memory_space<vmem>>[vector<16xi32>, vector<16xi32>], vector<16xi32>,
      %gather3A_41 = tpu.vector_load_idx %arg6[%gather3A] : memref<21128xi32, #tpu.memory_space<vmem>>[vector<16xi32>], vector<16xi32>,
      %mul3A_42 = arith.constant 16 : i32
      %mul3A_43 = arith.muli %scan3A_9, %mul3A_42 : i32
      %swap3A = arith.index_cast %mul3A_43 : i32 to index
      %swap3A_44 = tpu.vector_load %arg7[%swap3A] {strides = array<i32>} : memref<25600xi32, #tpu.memory_space<vmem>>, vector<16xi32>,
      tpu.vector_store %arg7[%swap3A], %gather3A_41 {strides = array<i32>} : memref<25600xi32, #tpu.memory_space<vmem>>, vector<16xi32>,
    }
    %scan3A_6 = arith.constant 1600 : i32
    %mul3A_7 = arith.constant 25600 : i32
    %mul3A_8 = arith.muli %add3A, %mul3A_7 : i32
    "tpu.region"() ({
      %run_scoped3A = tpu.sem_alloc : memref<!tpu.dma_semaphore, #tpu.memory_space<semaphore_mem>>
      %dma_start3A = tpu.memref_slice %arg4[%mul3A_8] : memref<819200xi32, #tpu.memory_space<hbm>> -> memref<25600xi32, #tpu.memory_space<hbm>>
      %dma_start3A_9 = tpu.memref_slice %arg4[%mul3A_8] : memref<819200xi32, #tpu.memory_space<hbm>> -> memref<25600xi32, #tpu.memory_space<hbm>>
      tpu.enqueue_dma source(%arg7 : memref<25600xi32, #tpu.memory_space<vmem>>) target(%dma_start3A_9 : memref<25600xi32, #tpu.memory_space<hbm>>) target_semaphore(%run_scoped3A : memref<!tpu.dma_semaphore, #tpu.memory_space<semaphore_mem>>)
      %dma_wait3A = tpu.memref_slice %arg4[%mul3A_8] : memref<819200xi32, #tpu.memory_space<hbm>> -> memref<25600xi32, #tpu.memory_space<hbm>>
      %dma_wait3A_10 = tpu.memref_slice %arg4[%mul3A_8] : memref<819200xi32, #tpu.memory_space<hbm>> -> memref<25600xi32, #tpu.memory_space<hbm>>
      tpu.wait_dma2 semaphore(%run_scoped3A : memref<!tpu.dma_semaphore, #tpu.memory_space<semaphore_mem>>) src(%arg7 : memref<25600xi32, #tpu.memory_space<vmem>>) dst(%dma_wait3A_10 : memref<25600xi32, #tpu.memory_space<hbm>>)
      tpu.yield
    }) : () -> ()
    return
  }
}

module attributes {stable_mosaic.version = 14 : i64} {
  func.func @body(%arg0: i32, %arg1: memref<2000x120xf32, #tpu.memory_space<vmem>>, %arg2: memref<1x120xf32, #tpu.memory_space<vmem>>, %arg3: memref<1x120xf32, #tpu.memory_space<vmem>>, %arg4: memref<2000x128xf32, #tpu.memory_space<vmem>>) attributes {dimension_semantics = [#tpu.dimension_semantics<arbitrary>], iteration_bounds = array<i64: 50>, scalar_prefetch = 0 : i64, scratch_operands = 0 : i64, tpu.core_type = #tpu.core_type<tc>, window_params = [{transform_indices = @transform_0, window_bounds = array<i64: 2000, 120>}, {pipeline_mode = #tpu.pipeline_mode<synchronous>, transform_indices = @transform_1, window_bounds = array<i64: 1, 120>}, {pipeline_mode = #tpu.pipeline_mode<synchronous>, transform_indices = @transform_2, window_bounds = array<i64: 1, 120>}, {transform_indices = @transform_3, window_bounds = array<i64: 2000, 128>}]} {
    %get3A = arith.constant 0 : index
    %get3A_0 = arith.constant 0 : index
    %get3A_1 = vector.load %arg1[%get3A, %get3A_0] : memref<2000x120xf32, #tpu.memory_space<vmem>>, vector<2000x120xf32>
    %reduce_sum3A = arith.constant dense<0.000000e+00> : vector<2000xf32>
    %reduce_sum3A_2 = vector.multi_reduction <add>, %get3A_1, %reduce_sum3A [1] : vector<2000x120xf32> to vector<2000xf32>
    %broadcast_in_dim3A = vector.shape_cast %reduce_sum3A_2 : vector<2000xf32> to vector<2000x1xf32>
    %div3A = arith.constant 1.200000e+02 : f32
    %div3A_3 = vector.broadcast %div3A : f32 to vector<2000x1xf32>
    %div3A_4 = arith.divf %broadcast_in_dim3A, %div3A_3 : vector<2000x1xf32>
    %sub3A = vector.broadcast %div3A_4 : vector<2000x1xf32> to vector<2000x120xf32>
    %sub3A_5 = arith.subf %get3A_1, %sub3A : vector<2000x120xf32>
    %mul3A = arith.mulf %sub3A_5, %sub3A_5 : vector<2000x120xf32>
    %reduce_sum3A_6 = arith.constant dense<0.000000e+00> : vector<2000xf32>
    %reduce_sum3A_7 = vector.multi_reduction <add>, %mul3A, %reduce_sum3A_6 [1] : vector<2000x120xf32> to vector<2000xf32>
    %broadcast_in_dim3A_8 = vector.shape_cast %reduce_sum3A_7 : vector<2000xf32> to vector<2000x1xf32>
    %div3A_9 = arith.constant 1.200000e+02 : f32
    %div3A_10 = vector.broadcast %div3A_9 : f32 to vector<2000x1xf32>
    %div3A_11 = arith.divf %broadcast_in_dim3A_8, %div3A_10 : vector<2000x1xf32>
    %add3A = arith.constant 9.99999996E-13 : f32
    %add3A_12 = vector.broadcast %add3A : f32 to vector<2000x1xf32>
    %add3A_13 = arith.addf %div3A_11, %add3A_12 : vector<2000x1xf32>
    %rsqrt3A = math.rsqrt %add3A_13 : vector<2000x1xf32>
    %mul3A_14 = vector.broadcast %rsqrt3A : vector<2000x1xf32> to vector<2000x120xf32>
    %mul3A_15 = arith.mulf %sub3A_5, %mul3A_14 : vector<2000x120xf32>
    %get3A_16 = arith.constant 0 : index
    %get3A_17 = arith.constant 0 : index
    %get3A_18 = vector.load %arg2[%get3A_16, %get3A_17] : memref<1x120xf32, #tpu.memory_space<vmem>>, vector<1x120xf32>
    %mul3A_19 = vector.broadcast %get3A_18 : vector<1x120xf32> to vector<2000x120xf32>
    %mul3A_20 = arith.mulf %mul3A_15, %mul3A_19 : vector<2000x120xf32>
    %get3A_21 = arith.constant 0 : index
    %get3A_22 = arith.constant 0 : index
    %get3A_23 = vector.load %arg3[%get3A_21, %get3A_22] : memref<1x120xf32, #tpu.memory_space<vmem>>, vector<1x120xf32>
    %add3A_24 = vector.broadcast %get3A_23 : vector<1x120xf32> to vector<2000x120xf32>
    %add3A_25 = arith.addf %mul3A_20, %add3A_24 : vector<2000x120xf32>
    %jit3A = arith.constant 0 : i32
    %convert_element_type3A = arith.sitofp %jit3A : i32 to f32
    %pad3A = vector.broadcast %convert_element_type3A : f32 to vector<2000x8xf32>
    %pad3A_26 = tpu.concatenate %add3A_25, %pad3A in 1 : vector<2000x120xf32>, vector<2000x8xf32> -> vector<2000x128xf32>
    %swap3A = arith.constant 0 : index
    %swap3A_27 = arith.constant 0 : index
    %swap3A_28 = vector.load %arg4[%swap3A, %swap3A_27] : memref<2000x128xf32, #tpu.memory_space<vmem>>, vector<2000x128xf32>
    tpu.vector_store %arg4[%swap3A, %swap3A_27], %pad3A_26 {strides = array<i32>} : memref<2000x128xf32, #tpu.memory_space<vmem>>, vector<2000x128xf32>,
    return
  }
  func.func @transform_0(%arg0: i32) -> (i32, i32) {
    %c0_i32 = arith.constant 0 : i32
    %c0_i32_0 = arith.constant 0 : i32
    return %arg0, %c0_i32 : i32, i32
  }
  func.func @transform_1(%arg0: i32) -> (i32, i32) {
    %c0_i32 = arith.constant 0 : i32
    %c0_i32_0 = arith.constant 0 : i32
    %c0_i32_1 = arith.constant 0 : i32
    return %c0_i32, %c0_i32_0 : i32, i32
  }
  func.func @transform_2(%arg0: i32) -> (i32, i32) {
    %c0_i32 = arith.constant 0 : i32
    %c0_i32_0 = arith.constant 0 : i32
    %c0_i32_1 = arith.constant 0 : i32
    return %c0_i32, %c0_i32_0 : i32, i32
  }
  func.func @transform_3(%arg0: i32) -> (i32, i32) {
    %c0_i32 = arith.constant 0 : i32
    %c0_i32_0 = arith.constant 0 : i32
    return %arg0, %c0_i32 : i32, i32
  }
}

</mosaic_0001>

<sc_bundles>
// kernel: kernel.5.cloned.1.call-start
scs
__scs_entry_jumppad:
0x0: {  	(pc) =	sbr.rel $0x88, $3  }
0x1: {  	(tag) =	ssettag $0x0;
	lr =	simm.s32 $0x1  }
0x2: {  	[smem:$0x3F9C] =	sst lr;
	_ =	strace $0xD0000000  }
0x3: {  	_ = 	snop  }
0x4: {  	_ = 	snop  }
0x5: {  	_ = 	snop  }
0x6: {  	_ = 	snop  }
0x7: {  	_ = 	snop  }
__scs_overlays_trampoline_lowered:
0x8: {  	[smem:$0x3FAB] =	sst s0  }
0x9: {  	[smem:$0x3FAC] =	sst s1  }
0xa: {  	[smem:$0x3FAD] =	sst s2  }
0xb: {  	[smem:$0x3FAE] =	sst s3  }
0xc: {  	[smem:$0x3FAF] =	sst s4  }
0xd: {  	[smem:$0x3FB0] =	sst s5  }
0xe: {  	[smem:$0x3FB1] =	sst s6  }
0xf: {  	[smem:$0x3FB2] =	sst s7  }
0x10: {  	[smem:$0x3FB3] =	sst s8  }
0x11: {  	[smem:$0x3FB4] =	sst s9;
	s0 =	simm.s32 @!p0 $0x0  }
0x12: {  	s1 =	sld [smem:$0x3F9A];
	s0 =	simm.s32 @p0 $0x1  }
0x13: {  	[smem:$0x3FB5] =	sst s0;
	s0 =	simm.s32 @!p1 $0x0  }
0x14: {  	s2 =	sld [smem:$0x3F99];
	s0 =	simm.s32 @p1 $0x1  }
0x15: {  	[smem:$0x3FB6] =	sst s0;
	s0 =	simm.s32 @!p2 $0x0  }
0x16: {  	s3 =	sld [smem:$0x3FDB];
	s0 =	simm.s32 @p2 $0x1  }
0x17: {  	s4 =	simm.s32 $0x1BF5;
	[smem:$0x3FB8] =	sst s0  }
0x18: {  	s0 =	sld [smem:$0x3F9B];
	_ =	swait.ge [sflag:s4], $0x0  }
0x19: {  	s7 =	sld [smem:$0x3F9C]  }
0x1a: {  	s8 =	sadd.s32 $0xFFFFE003, lr  }
0x1b: {  	s9 =	sadd.s32 $0xFFFFFEF7, lr;
	s5 =	simm.s32 $0xFFFFFFFF;
	p2 =	slt.u32 s8, $0xFFFFF086  }
0x1c: {  	p1 =	slt.u32 s9, $0xF7A;
	s5 =	simm.s32 @!p2 $0x0  }
0x1d: {  	s5 =	simm.s32 @p1 $0x1;
	p0 =	seq.s32 s7, s2  }
0x1e: {  	s7 =	smul.u32 @!p0 $0xF7A, s2;
	p2 =	seq.s32 @!p0 s5, $0x0  }
0x1f: {  	s9 =	smul.u32 $0xF7A, s1;
	s8 =	simm.s32 @!p0 $0x1BF5;
	p2 =	por !p2, p0  }
0x20: {  	[sflag:s8] =	ssyncset.s32 @!p0 $0xFFFFF086;
	s6 =	sadd.s32 @!p0 s3, s7;
	s7 =	simm.s32 @!p0 $0x108  }
0x21: {  	s3 =	sadd.s32 s3, s9;
	s6 =	sadd.s32 @!p0 $0x88, s6;
	s7 =	simm.s32 @p2 $0x1082  }
0x22: {  	[simem:s7], [sflag:s8] =	dma.local @!p0 [hbm:s6], $0xF7A  }
0x23: {  	s9 =	sor.u32 $0xD0000000, s2;
	s6 =	simm.s32 $0x108;
	_ =	swait.ge @!p0 [sflag:s8], $0x0  }
0x24: {  	s3 =	sadd.s32 $0x88, s3;
	s6 =	simm.s32 @!p1 $0x1082;
	[sflag:s4] =	ssyncset.s32 $0xFFFFF086  }
0x25: {  	[simem:s6], [sflag:s4] =	dma.local [hbm:s3], $0xF7A  }
0x26: {  	[smem:$0x3F9C] =	sst s1;
	(tag) =	ssettag s2;
	_ =	strace s9  }
0x27: {  	s1 =	sld [smem:$0x3FAC]  }
0x28: {  	s2 =	sld [smem:$0x3FAD]  }
0x29: {  	s4 =	sld [smem:$0x3FAF]  }
0x2a: {  	p0 =	seq.s32 s5, $0x0;
	s5 =	sld [smem:$0x3FB0]  }
0x2b: {  	s6 =	sld [smem:$0x3FB1]  }
0x2c: {  	s7 =	sld [smem:$0x3FB2]  }
0x2d: {  	s3 =	simm.s32 $0x108;
	s8 =	sld [smem:$0x3FB3]  }
0x2e: {  	s3 =	simm.s32 @!p0 $0x1082;
	s9 =	sld [smem:$0x3FB4]  }
0x2f: {  	lr =	sadd.s32 s0, s3;
	s0 =	sld [smem:$0x3FAB]  }
0x30: {  	s3 =	sld [smem:$0x3FAE]  }
0x31: {  	[smem:$0x3FB7] =	sst s10  }
0x32: {  	s10 =	sld [smem:$0x3FB5];
	_ =	sdelay $0x3  }
0x33: {  	p0 =	seq.s32 s10, $0x1;
	s10 =	sld [smem:$0x3FB7];
	_ =	sdelay $0x3  }
0x34: {  	[smem:$0x3FB7] =	sst s10  }
0x35: {  	s10 =	sld [smem:$0x3FB6];
	_ =	sdelay $0x3  }
0x36: {  	p1 =	seq.s32 s10, $0x1;
	s10 =	sld [smem:$0x3FB7];
	_ =	sdelay $0x3  }
0x37: {  	[smem:$0x3FB7] =	sst s10  }
0x38: {  	s10 =	sld [smem:$0x3FB8]  }
0x39: {  	_ = 	snop;
	(pc) =	sbr.ind lr, $3  }
0x3a: {  	_ = 	snop  }
0x3b: {  	_ = 	snop  }
0x3c: {  	p2 =	seq.s32 s10, $0x1;
	s10 =	sld [smem:$0x3FB7]  }
0x3d: {  	_ =	shalt  }
0x3e: {  	_ =	shalt  }
0x3f: {  	_ =	shalt  }
0x40: {  	_ =	shalt  }
0x41: {  	_ =	shalt  }
0x42: {  	_ =	shalt  }
0x43: {  	_ =	shalt  }
0x44: {  	_ =	shalt  }
0x45: {  	_ =	shalt  }
0x46: {  	_ =	shalt  }
0x47: {  	_ =	shalt  }
0x48: {  	_ =	shalt  }
0x49: {  	_ =	shalt  }
0x4a: {  	_ =	shalt  }
0x4b: {  	_ =	shalt  }
0x4c: {  	_ =	shalt  }
0x4d: {  	_ =	shalt  }
0x4e: {  	_ =	shalt  }
0x4f: {  	_ =	shalt  }
0x50: {  	_ =	shalt  }
0x51: {  	_ =	shalt  }
0x52: {  	_ =	shalt  }
0x53: {  	_ =	shalt  }
0x54: {  	_ =	shalt  }
0x55: {  	_ =	shalt  }
0x56: {  	_ =	shalt  }
0x57: {  	_ =	shalt  }
0x58: {  	_ =	shalt  }
0x59: {  	_ =	shalt  }
0x5a: {  	_ =	shalt  }
0x5b: {  	_ =	shalt  }
0x5c: {  	_ =	shalt  }
0x5d: {  	_ =	shalt  }
0x5e: {  	_ =	shalt  }
0x5f: {  	_ =	shalt  }
0x60: {  	_ =	shalt  }
0x61: {  	_ =	shalt  }
0x62: {  	_ =	shalt  }
0x63: {  	_ =	shalt  }
0x64: {  	_ =	shalt  }
0x65: {  	_ =	shalt  }
0x66: {  	_ =	shalt  }
0x67: {  	_ =	shalt  }
0x68: {  	_ =	shalt  }
0x69: {  	_ =	shalt  }
0x6a: {  	_ =	shalt  }
0x6b: {  	_ =	shalt  }
0x6c: {  	_ =	shalt  }
0x6d: {  	_ =	shalt  }
0x6e: {  	_ =	shalt  }
0x6f: {  	_ =	shalt  }
0x70: {  	_ =	shalt  }
0x71: {  	_ =	shalt  }
0x72: {  	_ =	shalt  }
0x73: {  	_ =	shalt  }
0x74: {  	_ =	shalt  }
0x75: {  	_ =	shalt  }
0x76: {  	_ =	shalt  }
0x77: {  	_ =	shalt  }
0x78: {  	_ =	shalt  }
0x79: {  	_ =	shalt  }
0x7a: {  	_ =	shalt  }
0x7b: {  	_ =	shalt  }
0x7c: {  	_ =	shalt  }
0x7d: {  	_ =	shalt  }
0x7e: {  	_ =	shalt  }
0x7f: {  	_ =	shalt  }
0x80: {  	_ =	shalt  }
0x81: {  	_ =	shalt  }
0x82: {  	_ =	shalt  }
0x83: {  	_ =	shalt  }
0x84: {  	_ =	shalt  }
0x85: {  	_ =	shalt  }
0x86: {  	_ =	shalt  }
0x87: {  	_ =	shalt  }
.Lfunc_end0:
.L_simem_size_0:
called_computation.1_lowered:
.L_overlay_start_0:
0x88: {  	s2 =	sld [smem:$0x3FD9]  }
0x89: {  	s3 =	sld [smem:$0x3FFE];
	_ =	sdelay $0x1  }
0x8a: {  	s1 =	srdreg.scid  }
0x8b: {  	s0 =	sand.u32 $0x1, s1  }
0x8c: {  	s17 =	sshll.u32 s0, $0xA;
	s2 =	sadd.s32 s3, s2  }
0x8d: {  	s2 =	sadd.s32 s2, s17  }
0x8e: {  	[smem:$0x3FC3] =	sst s2  }
0x8f: {  	_ = 	snop  }
0x90: {  	s2 =	sld [smem:$0x3FC8];
	(tm) =	ssettm $0x1  }
0x91: {  	s18 =	sld [smem:$0x3FFB];
	_ =	sdelay $0x3  }
0x92: {  	_ =	strace s18  }
0x93: {  	s3 =	sld [smem:$0x3FFC];
	_ =	sdelay $0x3  }
0x94: {  	_ =	strace s3  }
0x95: {  	s3 =	sld [smem:$0x3FFD];
	_ =	sdelay $0x3  }
0x96: {  	_ =	strace s3  }
0x97: {  	_ =	strace $0x8FFFFFFF  }
0x98: {  	s19 =	sld [smem:$0x3FDB];
	_ =	sdelay $0x1  }
0x99: {  	s4 =	simm.s32 $_scs_section_size  }
0x9a: {  	s5 =	simm.s32 $_size__tile_overlayer_lowered;
	s6 =	simm.s32 $_tile_overlayer_lowered  }
0x9b: {  	s22 =	simm.s32 $0x1BFF;
	s21 =	sshll.u32 s6, $0x1;
	s3 =	sadd.s32 s4, s19  }
0x9c: {  	s7 =	simm.s32 $0x0;
	s20 =	sshll.u32 s5, $0x1;
	s5 =	sadd.s32 s21, s3  }
0x9d: {  	[timem:s7], [sflag:s22] =	dma.local [hbm:s5], s20  }
0x9e: {  	_ =	swait.ge [sflag:s22], s20  }
0x9f: {  	s4 =	ssub.s32 $0x0, s20;
	[sflag:s22] =	ssyncset.done $0x0  }
0xa0: {  	[sflag:s22] =	ssyncadd.s32 s4;
	_ =	sdelay $0x1  }
0xa1: {  	s23 =	simm.s32 $0x1B8B  }
0xa2: {  	_ =	swait.ge [sflag:s23], $0x1  }
0xa3: {  	[sflag:s23] =	ssyncset.done $0x0  }
0xa4: {  	s25 =	simm.s32 $0x1B8E;
	s24 =	sld [smem:$0x3FFE];
	[sflag:s23] =	ssyncadd.s32 $0xFFFFFFFF  }
0xa5: {  	s26 =	simm.s32 $execute0_lowered;
	[smem:$0x3FD2] =	sst s25  }
0xa6: {  	s5 =	sshll.u32 s26, $0x1;
	_ =	strace $0x80000046;
	[dreg:$0x1] =	wrdreg $0xFFFFFFFF  }
0xa7: {  	s28 =	simm.s32 $_size_execute0_lowered;
	s3 =	sadd.s32 s3, s5;
	[dreg:$0x0] =	wrdreg $0x0  }
0xa8: {  	s5 =	sshll.u32 s28, $0x1;
	[dreg:$0x2] =	wrdreg s3  }
0xa9: {  	[dreg:$0x3] =	wrdreg s5  }
0xaa: {  	[dreg:$0x4] =	wrdreg $0xC0  }
0xab: {  	_ =	task [dreg:s7], $0x5FFFF  }
0xac: {  	[dreg:$0x1] =	wrdreg $0xFFFFFFFF  }
0xad: {  	[dreg:$0x0] =	wrdreg $0x60  }
0xae: {  	[dreg:$0x2] =	wrdreg s24  }
0xaf: {  	[dreg:$0x3] =	wrdreg s2  }
0xb0: {  	[dreg:$0x4] =	wrdreg $0x9  }
0xb1: {  	_ =	task.clear_ibuf [dreg:s7], $0x5FFFF;
	_ =	strace $0x90000046  }
0xb2: {  	s29 =	simm.s32 $0x9;
	_ =	strace $0x80000048  }
0xb3: {  	_ =	swait.ge [sflag:s29], $0x1  }
0xb4: {  	[sflag:s29] =	ssyncadd.s32 $0xFFFFFFFF  }
0xb5: {  	_ =	strace $0x90000048  }
0xb6: {  	_ =	sfence  }
0xb7: {  	s30 =	sld [smem:$0x0];
	_ =	sdelay $0x2  }
0xb8: {  	s31 =	sshll.u32 s1, $0xD;
	s1 =	sshrl.u32 s1, $0x2  }
0xb9: {  	s3 =	sand.u32 $0x4000, s31;
	s1 =	sadd.s32 s1, s30  }
0xba: {  	s0 =	sor.u32 s3, s0;
	s1 =	sshll.u32 s1, $0x11  }
0xbb: {  	s0 =	sor.u32 s1, s0  }
0xbc: {  	s0 =	sadd.s32 $0x8F2B, s0  }
0xbd: {  	[sflag:s0] =	ssyncadd.remote.s32 $0x1  }
0xbe: {  	_ =	sfence.sel $0xFFFF  }
0xbf: {  	[dreg:$0x0] =	wrdreg $0xFFFFFFFF;
	(pc) =	sbr.abs _section_cstart, $3  }
0xc0: {  	[dreg:$0x1] =	wrdreg $0xFFFFFFFF  }
0xc1: {  	_ =	task.clear_ibuf [dreg:s7], $0x2FFFF;
	_ =	strace $0x9FFFFFFF  }
0xc2: {  	(tm) =	ssettm $0x7FFFFFFF  }
0xc3: {  	_ =	shalt  }
tec
execute0_lowered:
.L_overlay_start_1:
0x0: {  	(tag) =	ssettag $0x1  }
0x1: {  	s4 =	rddreg [dreg:$0x0];
	s1 =	srdreg.scid  }
0x2: {  	s0 =	stileid.u32;
	s2 =	rddreg [dreg:$0x1];
	s3 =	simm.s32 $0x0  }
0x3: {  	s9 =	simm.s32 $0x1;
	s10 =	simm.s32 $0xD300;
	s11 =	simm.s32 $0x0  }
0x4: {  	s5 =	sand.u32 $0x1, s1;
	s6 =	sshll.u32 s0, $0x1;
	s1 =	rddreg [dreg:$0x2]  }
0x5: {  	[smem:$0x7FF] =	sst s3;
	s6 =	sor.u32 s5, s6;
	s5 =	ssub.s32 $0x2, s5  }
0x6: {  	s7 =	smul.u32 $0xC80, s6;
	s6 =	sshll.u32 s6, $0xC;
	s31 =	sshrl.u32 s5, $0x1  }
0x7: {  	_ =	strace $0x80000047;
	s6 =	sadd.s32 s6, s4;
	s8 =	ssub.s32 s5, s31  }
0x8: {  	s7 =	sadd.s32 s7, s4;
	s4 =	sadd.s32 $0x1000, s6;
	s6 =	smax.u32 s8, $0x1  }
0x9: {  	v0 =	vlaneseq.u32;
	v1 =	vimm.s32 $0x0;
	s8 =	simm.s32 $0x2;
	s5 =	sadd.s32 $0x21000, s7;
	s7 =	simm.s32 $0x8000  }
.LBB2_1:
0xa: {  	v2 =	vor.u32 s3, v0  }
0xb: {  	v3 =	vmulhi.u32 $0x51EB851F, v2;
	_ =	sdelay $0x1  }
0xc: {  	v3 =	vshrl.u32 v3, $0x6  }
0xd: {  	v4 =	vmul.u32 $0xFFFFFF38, v3  }
0xe: {  	v5 =	vmov s3;
	v6 =	vsub.s32 $0x0, v2  }
0xf: {  	vm0 =	veq.s32 v5, v0;
	vm1 =	vne.s32 v4, v6  }
0x10: {  	vm0 =	vmand vm0, vm1  }
0x11: {  	v4 =	vsel vm0, $0xFFFFFFFF, v1  }
0x12: {  	v3 =	vadd.s32 v4, v3  }
0x13: {  	v4 =	vmul.u32 $0xFFFFFF38, v3;
	_ =	sdelay $0x1  }
0x14: {  	s12 =	simm.s32 $0x10;
	v2 =	vadd.s32 v2, v4  }
0x15: {  	[tilespmem:s7], [sflag:$0x1] =	stream.linear.gather [hbm4b:s2+s3], $0x5300, $0x38;
	v6 =	vor.u32 s12, v0;
	v4 =	vshll.u32 v3, $0x8;
	v5 =	vshll.u32 v2, $0x3;
	[tilespmem:$0x13700] =	vst v63  }
0x16: {  	v3 =	vshll.u32 v3, $0x7;
	v4 =	vand.u32 $0xFFFFF800, v4;
	v5 =	vand.u32 $0xFFFFFC00, v5  }
0x17: {  	[tilespmem:s3], [sflag:$0x2] =	stream.linear.gather [hbm4b:s4+s3], $0x8000, $0x38;
	v3 =	vand.u32 $0x380, v3;
	v4 =	vadd.s32 v4, v5;
	v5 =	vmulhi.u32 $0x51EB851F, v6;
	[tilespmem:$0x13700] =	vst v63  }
0x18: {  	_ =	swait.ge [sflag:s8], $0x8000;
	v2 =	vand.u32 $0x7F, v2;
	v3 =	vor.u32 v3, v4  }
0x19: {  	[sflag:s8] =	ssyncset.done $0x0;
	v2 =	vor.u32 v2, v3;
	v3 =	vshrl.u32 v5, $0x6  }
0x1a: {  	[sflag:s8] =	ssyncadd.s32 $0xFFFF8000;
	v4 =	vmul.u32 $0xFFFFFF38, v3  }
0x1b: {  	_ =	swait.ge [sflag:s9], $0x5300;
	v7 =	vsub.s32 $0x0, v6;
	v5 =	vmov s12  }
0x1c: {  	[sflag:s9] =	ssyncset.done $0x0;
	vm12 =	veq.s32 v5, v0;
	vm13 =	vne.s32 v4, v7  }
0x1d: {  	[sflag:s9] =	ssyncadd.s32 $0xFFFFAD00;
	vm0 =	vmand vm12, vm13  }
0x1e: {  	v2 =	vld.idx.msk [tilespmem:v2+s3+$0x0], $0xffff;
	v4 =	vsel vm0, $0xFFFFFFFF, v1  }
0x1f: {  	v3 =	vadd.s32 v4, v3  }
0x20: {  	v4 =	vmul.u32 $0xFFFFFF38, v3;
	_ =	sdelay $0x1  }
0x21: {  	v4 =	vadd.s32 v6, v4  }
0x22: {  	v5 =	vshll.u32 v3, $0x8;
	v6 =	vshll.u32 v4, $0x3  }
0x23: {  	s31 =	simm.s32 $0x20;
	v3 =	vshll.u32 v3, $0x7;
	v5 =	vand.u32 $0xFFFFF800, v5;
	v6 =	vand.u32 $0xFFFFFC00, v6  }
0x24: {  	v7 =	vor.u32 s31, v0;
	v3 =	vand.u32 $0x380, v3;
	v5 =	vadd.s32 v5, v6  }
0x25: {  	v4 =	vand.u32 $0x7F, v4;
	v6 =	vmulhi.u32 $0x51EB851F, v7;
	v2 =	vld.idx.msk [tilespmem:v2+s7+$0x0], $0xffff;
	v3 =	vor.u32 v3, v5  }
0x26: {  	v3 =	vor.u32 v4, v3  }
0x27: {  	v4 =	vshrl.u32 v6, $0x6  }
0x28: {  	v5 =	vmul.u32 $0xFFFFFF38, v4  }
0x29: {  	v8 =	vsub.s32 $0x0, v7;
	v6 =	vmov s31  }
0x2a: {  	vm14 =	veq.s32 v6, v0;
	vm15 =	vne.s32 v5, v8;
	[tilespmem:s10+$0x0] =	vst v2  }
0x2b: {  	vm0 =	vmand vm14, vm15;
	v3 =	vld.idx.msk [tilespmem:v3+s3+$0x0], $0xffff  }
0x2c: {  	v2 =	vsel vm0, $0xFFFFFFFF, v1  }
0x2d: {  	v2 =	vadd.s32 v2, v4  }
0x2e: {  	v4 =	vmul.u32 $0xFFFFFF38, v2;
	_ =	sdelay $0x1  }
0x2f: {  	v4 =	vadd.s32 v7, v4  }
0x30: {  	v5 =	vshll.u32 v2, $0x8;
	v6 =	vshll.u32 v4, $0x3  }
0x31: {  	s12 =	simm.s32 $0x30;
	v5 =	vand.u32 $0xFFFFF800, v5;
	v7 =	vshll.u32 v2, $0x7;
	v6 =	vand.u32 $0xFFFFFC00, v6  }
0x32: {  	s14 =	simm.s32 $0x40;
	s13 =	simm.s32 $0xD300;
	v2 =	vor.u32 s12, v0;
	v5 =	vadd.s32 v5, v6;
	v6 =	vand.u32 $0x380, v7;
	v3 =	vld.idx.msk [tilespmem:v3+s7+$0x0], $0xffff  }
.LBB2_2:
0x33: {  	p0 =	sne.s32 s14, $0x63F0;
	v7 =	vmulhi.u32 $0x51EB851F, v2;
	v4 =	vand.u32 $0x7F, v4;
	v5 =	vor.u32 v6, v5  }
0x34: {  	v4 =	vor.u32 v4, v5  }
0x35: {  	v5 =	vshrl.u32 v7, $0x6  }
0x36: {  	v6 =	vmul.u32 $0xFFFFFF38, v5  }
0x37: {  	v8 =	vsub.s32 $0x0, v2;
	s13 =	sadd.s32 $0x10, s13;
	v7 =	vmov s12;
	s12 =	smov.u32 s14  }
0x38: {  	vm0 =	veq.s32 v7, v0;
	vm1 =	vne.s32 v6, v8;
	[tilespmem:s13+$0x0] =	vst v3  }
0x39: {  	vm0 =	vmand vm0, vm1;
	v3 =	vld.idx.msk [tilespmem:v4+s3+$0x0], $0xffff  }
0x3a: {  	v4 =	vsel vm0, $0xFFFFFFFF, v1  }
0x3b: {  	v5 =	vadd.s32 v4, v5  }
0x3c: {  	v4 =	vmul.u32 $0xFFFFFF38, v5  }
.Ltmp0:
0x3d: {  	(pc) =	sbr.rel @p0 .LBB2_2-.Ltmp0, $4  }
0x3e: {  	v4 =	vadd.s32 v2, v4  }
0x3f: {  	v2 =	vshll.u32 v5, $0x8;
	v6 =	vshll.u32 v4, $0x3  }
0x40: {  	v8 =	vshll.u32 v5, $0x7;
	v7 =	vand.u32 $0xFFFFF800, v2;
	v6 =	vand.u32 $0xFFFFFC00, v6  }
0x41: {  	s14 =	sadd.s32 $0x10, s14;
	v2 =	vor.u32 s12, v0;
	v5 =	vadd.s32 v7, v6;
	v6 =	vand.u32 $0x380, v8;
	v3 =	vld.idx.msk [tilespmem:v3+s7+$0x0], $0xffff  }
0x42: {  	v7 =	vmulhi.u32 $0x51EB851F, v2  }
0x43: {  	v4 =	vand.u32 $0x7F, v4;
	v5 =	vor.u32 v6, v5  }
0x44: {  	v4 =	vor.u32 v4, v5;
	v58 =	vshrl.u32 v7, $0x6  }
0x45: {  	v59 =	vmul.u32 $0xFFFFFF38, v58  }
0x46: {  	v60 =	vmov s12;
	v8 =	vsub.s32 $0x0, v2  }
0x47: {  	s31 =	sadd.s32 $0x10, s13;
	vm0 =	veq.s32 v60, v0;
	vm1 =	vne.s32 v59, v8  }
0x48: {  	[tilespmem:s31+$0x0] =	vst v3;
	vm0 =	vmand vm0, vm1  }
0x49: {  	v3 =	vld.idx.msk [tilespmem:v4+s3+$0x0], $0xffff;
	v61 =	vsel vm0, $0xFFFFFFFF, v1  }
0x4a: {  	v4 =	vadd.s32 v61, v58  }
0x4b: {  	v5 =	vmul.u32 $0xFFFFFF38, v4;
	_ =	sdelay $0x1  }
0x4c: {  	v2 =	vadd.s32 v2, v5  }
0x4d: {  	v62 =	vshll.u32 v4, $0x8;
	v63 =	vshll.u32 v2, $0x3  }
0x4e: {  	v4 =	vshll.u32 v4, $0x7;
	v5 =	vand.u32 $0xFFFFF800, v62;
	v6 =	vand.u32 $0xFFFFFC00, v63  }
0x4f: {  	v4 =	vand.u32 $0x380, v4;
	v5 =	vadd.s32 v5, v6  }
0x50: {  	v2 =	vand.u32 $0x7F, v2;
	v3 =	vld.idx.msk [tilespmem:v3+s7+$0x0], $0xffff;
	v4 =	vor.u32 v4, v5  }
0x51: {  	v2 =	vor.u32 v2, v4;
	_ =	sdelay $0x2  }
0x52: {  	s12 =	sadd.s32 $0x10, s31  }
0x53: {  	[tilespmem:s12+$0x0] =	vst v3  }
0x54: {  	v2 =	vld.idx.msk [tilespmem:v2+s3+$0x0], $0xffff;
	_ =	sdelay $0x7  }
0x55: {  	v2 =	vld.idx.msk [tilespmem:v2+s7+$0x0], $0xffff;
	_ =	sdelay $0x2  }
0x56: {  	s11 =	sadd.s32 $0x1, s11  }
0x57: {  	p0 =	sne.s32 s11, s6;
	s12 =	sadd.s32 $0x10, s12  }
.Ltmp1:
0x58: {  	[tilespmem:s12+$0x0] =	vst v2;
	(pc) =	sbr.rel @p0 .LBB2_1-.Ltmp1, $4  }
0x59: {  	[hbm4b:s5+s3] =	stream.linear.scatter [tilespmem:s10], [sflag:$0x2], $0x6400, $0x38;
	[tilespmem:$0x13700] =	vst v63  }
0x5a: {  	_ =	swait.ge [sflag:s8], $0x6400  }
0x5b: {  	[sflag:s8] =	ssyncset.done $0x0  }
0x5c: {  	[sflag:s8] =	ssyncadd.s32 $0xFFFF9C00  }
0x5d: {  	_ =	sfence.sel $0x180000  }
0x5e: {  	[bflag:$0x0] =	sbarrier.arrive $0xFFFF  }
0x5f: {  	p0 =	sne.s32 s0, $0x0;
	_ =	strace $0x90000047  }
0x60: {  	s0 =	sadd.s32 @!p0 $0x100000, s1;
	[bflag:$0x2] =	sbarrier.arrive $0xFFFF  }
0x61: {  	[sflag:s0] =	ssyncadd.tile.s32 @!p0 $0x1;
	_ =	shalt  }
.Lfunc_end2:
_tile_overlayer_lowered:
.L_overlay_start_2:
0x62: {  	(tag) =	ssettag $0x2  }
0x63: {  	s0 =	rddreg [dreg:$0x0];
	s2 =	stileid.u32  }
0x64: {  	s1 =	rddreg [dreg:$0x1];
	p0 =	sne.s32 s2, $0x0  }
0x65: {  	s3 =	rddreg [dreg:$0x2];
	[bflag:$0x3] =	sbarrier.arrive $0xFFFF;
	s2 =	simm.s32 @!p0 $0x1C02  }
0x66: {  	[timem:s3], [sflag:s2] =	dma.local @!p0 [hbm:s0], s1  }
0x67: {  	s0 =	simm.s32 @!p0 $0x2  }
0x68: {  	_ =	swait.ge @!p0 [sflag:s0], s1  }
0x69: {  	s1 =	ssub.s32 @!p0 $0x0, s1;
	[sflag:s0] =	ssyncset.done @!p0 $0x0  }
0x6a: {  	[sflag:s0] =	ssyncadd.s32 @!p0 s1  }
0x6b: {  	[bflag:$0x3] =	sbarrier.arrive $0xFFFF  }
0x6c: {  	_ =	shalt  }

// kernel: kernel.8.cloned.1.call-start
scs
__scs_entry_jumppad:
0x0: {  	(pc) =	sbr.rel $0x88, $3  }
0x1: {  	(tag) =	ssettag $0x0;
	lr =	simm.s32 $0x1  }
0x2: {  	[smem:$0x3F9C] =	sst lr;
	_ =	strace $0xD0000000  }
0x3: {  	_ = 	snop  }
0x4: {  	_ = 	snop  }
0x5: {  	_ = 	snop  }
0x6: {  	_ = 	snop  }
0x7: {  	_ = 	snop  }
__scs_overlays_trampoline_lowered:
0x8: {  	[smem:$0x3FAB] =	sst s0  }
0x9: {  	[smem:$0x3FAC] =	sst s1  }
0xa: {  	[smem:$0x3FAD] =	sst s2  }
0xb: {  	[smem:$0x3FAE] =	sst s3  }
0xc: {  	[smem:$0x3FAF] =	sst s4  }
0xd: {  	[smem:$0x3FB0] =	sst s5  }
0xe: {  	[smem:$0x3FB1] =	sst s6  }
0xf: {  	[smem:$0x3FB2] =	sst s7  }
0x10: {  	[smem:$0x3FB3] =	sst s8  }
0x11: {  	[smem:$0x3FB4] =	sst s9;
	s0 =	simm.s32 @!p0 $0x0  }
0x12: {  	s1 =	sld [smem:$0x3F9A];
	s0 =	simm.s32 @p0 $0x1  }
0x13: {  	[smem:$0x3FB5] =	sst s0;
	s0 =	simm.s32 @!p1 $0x0  }
0x14: {  	s2 =	sld [smem:$0x3F99];
	s0 =	simm.s32 @p1 $0x1  }
0x15: {  	[smem:$0x3FB6] =	sst s0;
	s0 =	simm.s32 @!p2 $0x0  }
0x16: {  	s3 =	sld [smem:$0x3FDB];
	s0 =	simm.s32 @p2 $0x1  }
0x17: {  	s4 =	simm.s32 $0x1BF5;
	[smem:$0x3FB8] =	sst s0  }
0x18: {  	s0 =	sld [smem:$0x3F9B];
	_ =	swait.ge [sflag:s4], $0x0  }
0x19: {  	s7 =	sld [smem:$0x3F9C]  }
0x1a: {  	s8 =	sadd.s32 $0xFFFFE003, lr  }
0x1b: {  	s9 =	sadd.s32 $0xFFFFFEF7, lr;
	s5 =	simm.s32 $0xFFFFFFFF;
	p2 =	slt.u32 s8, $0xFFFFF086  }
0x1c: {  	p1 =	slt.u32 s9, $0xF7A;
	s5 =	simm.s32 @!p2 $0x0  }
0x1d: {  	s5 =	simm.s32 @p1 $0x1;
	p0 =	seq.s32 s7, s2  }
0x1e: {  	s7 =	smul.u32 @!p0 $0xF7A, s2;
	p2 =	seq.s32 @!p0 s5, $0x0  }
0x1f: {  	s9 =	smul.u32 $0xF7A, s1;
	s8 =	simm.s32 @!p0 $0x1BF5;
	p2 =	por !p2, p0  }
0x20: {  	[sflag:s8] =	ssyncset.s32 @!p0 $0xFFFFF086;
	s6 =	sadd.s32 @!p0 s3, s7;
	s7 =	simm.s32 @!p0 $0x108  }
0x21: {  	s3 =	sadd.s32 s3, s9;
	s6 =	sadd.s32 @!p0 $0x88, s6;
	s7 =	simm.s32 @p2 $0x1082  }
0x22: {  	[simem:s7], [sflag:s8] =	dma.local @!p0 [hbm:s6], $0xF7A  }
0x23: {  	s9 =	sor.u32 $0xD0000000, s2;
	s6 =	simm.s32 $0x108;
	_ =	swait.ge @!p0 [sflag:s8], $0x0  }
0x24: {  	s3 =	sadd.s32 $0x88, s3;
	s6 =	simm.s32 @!p1 $0x1082;
	[sflag:s4] =	ssyncset.s32 $0xFFFFF086  }
0x25: {  	[simem:s6], [sflag:s4] =	dma.local [hbm:s3], $0xF7A  }
0x26: {  	[smem:$0x3F9C] =	sst s1;
	(tag) =	ssettag s2;
	_ =	strace s9  }
0x27: {  	s1 =	sld [smem:$0x3FAC]  }
0x28: {  	s2 =	sld [smem:$0x3FAD]  }
0x29: {  	s4 =	sld [smem:$0x3FAF]  }
0x2a: {  	p0 =	seq.s32 s5, $0x0;
	s5 =	sld [smem:$0x3FB0]  }
0x2b: {  	s6 =	sld [smem:$0x3FB1]  }
0x2c: {  	s7 =	sld [smem:$0x3FB2]  }
0x2d: {  	s3 =	simm.s32 $0x108;
	s8 =	sld [smem:$0x3FB3]  }
0x2e: {  	s3 =	simm.s32 @!p0 $0x1082;
	s9 =	sld [smem:$0x3FB4]  }
0x2f: {  	lr =	sadd.s32 s0, s3;
	s0 =	sld [smem:$0x3FAB]  }
0x30: {  	s3 =	sld [smem:$0x3FAE]  }
0x31: {  	[smem:$0x3FB7] =	sst s10  }
0x32: {  	s10 =	sld [smem:$0x3FB5];
	_ =	sdelay $0x3  }
0x33: {  	p0 =	seq.s32 s10, $0x1;
	s10 =	sld [smem:$0x3FB7];
	_ =	sdelay $0x3  }
0x34: {  	[smem:$0x3FB7] =	sst s10  }
0x35: {  	s10 =	sld [smem:$0x3FB6];
	_ =	sdelay $0x3  }
0x36: {  	p1 =	seq.s32 s10, $0x1;
	s10 =	sld [smem:$0x3FB7];
	_ =	sdelay $0x3  }
0x37: {  	[smem:$0x3FB7] =	sst s10  }
0x38: {  	s10 =	sld [smem:$0x3FB8]  }
0x39: {  	_ = 	snop;
	(pc) =	sbr.ind lr, $3  }
0x3a: {  	_ = 	snop  }
0x3b: {  	_ = 	snop  }
0x3c: {  	p2 =	seq.s32 s10, $0x1;
	s10 =	sld [smem:$0x3FB7]  }
0x3d: {  	_ =	shalt  }
0x3e: {  	_ =	shalt  }
0x3f: {  	_ =	shalt  }
0x40: {  	_ =	shalt  }
0x41: {  	_ =	shalt  }
0x42: {  	_ =	shalt  }
0x43: {  	_ =	shalt  }
0x44: {  	_ =	shalt  }
0x45: {  	_ =	shalt  }
0x46: {  	_ =	shalt  }
0x47: {  	_ =	shalt  }
0x48: {  	_ =	shalt  }
0x49: {  	_ =	shalt  }
0x4a: {  	_ =	shalt  }
0x4b: {  	_ =	shalt  }
0x4c: {  	_ =	shalt  }
0x4d: {  	_ =	shalt  }
0x4e: {  	_ =	shalt  }
0x4f: {  	_ =	shalt  }
0x50: {  	_ =	shalt  }
0x51: {  	_ =	shalt  }
0x52: {  	_ =	shalt  }
0x53: {  	_ =	shalt  }
0x54: {  	_ =	shalt  }
0x55: {  	_ =	shalt  }
0x56: {  	_ =	shalt  }
0x57: {  	_ =	shalt  }
0x58: {  	_ =	shalt  }
0x59: {  	_ =	shalt  }
0x5a: {  	_ =	shalt  }
0x5b: {  	_ =	shalt  }
0x5c: {  	_ =	shalt  }
0x5d: {  	_ =	shalt  }
0x5e: {  	_ =	shalt  }
0x5f: {  	_ =	shalt  }
0x60: {  	_ =	shalt  }
0x61: {  	_ =	shalt  }
0x62: {  	_ =	shalt  }
0x63: {  	_ =	shalt  }
0x64: {  	_ =	shalt  }
0x65: {  	_ =	shalt  }
0x66: {  	_ =	shalt  }
0x67: {  	_ =	shalt  }
0x68: {  	_ =	shalt  }
0x69: {  	_ =	shalt  }
0x6a: {  	_ =	shalt  }
0x6b: {  	_ =	shalt  }
0x6c: {  	_ =	shalt  }
0x6d: {  	_ =	shalt  }
0x6e: {  	_ =	shalt  }
0x6f: {  	_ =	shalt  }
0x70: {  	_ =	shalt  }
0x71: {  	_ =	shalt  }
0x72: {  	_ =	shalt  }
0x73: {  	_ =	shalt  }
0x74: {  	_ =	shalt  }
0x75: {  	_ =	shalt  }
0x76: {  	_ =	shalt  }
0x77: {  	_ =	shalt  }
0x78: {  	_ =	shalt  }
0x79: {  	_ =	shalt  }
0x7a: {  	_ =	shalt  }
0x7b: {  	_ =	shalt  }
0x7c: {  	_ =	shalt  }
0x7d: {  	_ =	shalt  }
0x7e: {  	_ =	shalt  }
0x7f: {  	_ =	shalt  }
0x80: {  	_ =	shalt  }
0x81: {  	_ =	shalt  }
0x82: {  	_ =	shalt  }
0x83: {  	_ =	shalt  }
0x84: {  	_ =	shalt  }
0x85: {  	_ =	shalt  }
0x86: {  	_ =	shalt  }
0x87: {  	_ =	shalt  }
.Lfunc_end0:
.L_simem_size_0:
called_computation.2_lowered:
.L_overlay_start_0:
0x88: {  	s2 =	sld [smem:$0x3FD9]  }
0x89: {  	s3 =	sld [smem:$0x3FFE];
	_ =	sdelay $0x1  }
0x8a: {  	s1 =	srdreg.scid  }
0x8b: {  	s0 =	sand.u32 $0x1, s1  }
0x8c: {  	s16 =	sshll.u32 s0, $0xA;
	s2 =	sadd.s32 s3, s2  }
0x8d: {  	s2 =	sadd.s32 s2, s16  }
0x8e: {  	[smem:$0x3FC3] =	sst s2  }
0x8f: {  	_ = 	snop  }
0x90: {  	(tm) =	ssettm $0x1  }
0x91: {  	s17 =	sld [smem:$0x3FFB];
	_ =	sdelay $0x3  }
0x92: {  	_ =	strace s17  }
0x93: {  	s2 =	sld [smem:$0x3FFC];
	_ =	sdelay $0x3  }
0x94: {  	_ =	strace s2  }
0x95: {  	s2 =	sld [smem:$0x3FFD];
	_ =	sdelay $0x3  }
0x96: {  	_ =	strace s2  }
0x97: {  	_ =	strace $0x8FFFFFFF  }
0x98: {  	s18 =	sld [smem:$0x3FDB];
	_ =	sdelay $0x1  }
0x99: {  	s19 =	simm.s32 $_scs_section_size  }
0x9a: {  	s4 =	simm.s32 $_size__tile_overlayer_lowered;
	s5 =	simm.s32 $_tile_overlayer_lowered  }
0x9b: {  	s22 =	simm.s32 $0x1BFF;
	s21 =	sshll.u32 s5, $0x1;
	s2 =	sadd.s32 s19, s18  }
0x9c: {  	s6 =	simm.s32 $0x0;
	s20 =	sshll.u32 s4, $0x1;
	s4 =	sadd.s32 s21, s2  }
0x9d: {  	[timem:s6], [sflag:s22] =	dma.local [hbm:s4], s20  }
0x9e: {  	_ =	swait.ge [sflag:s22], s20  }
0x9f: {  	s3 =	ssub.s32 $0x0, s20;
	[sflag:s22] =	ssyncset.done $0x0  }
0xa0: {  	[sflag:s22] =	ssyncadd.s32 s3;
	_ =	sdelay $0x1  }
0xa1: {  	s23 =	simm.s32 $0x1B8B  }
0xa2: {  	_ =	swait.ge [sflag:s23], $0x1  }
0xa3: {  	[sflag:s23] =	ssyncset.done $0x0  }
0xa4: {  	s25 =	simm.s32 $0x1B8E;
	s24 =	sld [smem:$0x3FFE];
	[sflag:s23] =	ssyncadd.s32 $0xFFFFFFFF  }
0xa5: {  	s26 =	simm.s32 $execute0_lowered;
	[smem:$0x3FD2] =	sst s25  }
0xa6: {  	s4 =	sshll.u32 s26, $0x1;
	_ =	strace $0x80000049;
	[dreg:$0x1] =	wrdreg $0xFFFFFFFF  }
0xa7: {  	s28 =	simm.s32 $_size_execute0_lowered;
	s2 =	sadd.s32 s2, s4;
	[dreg:$0x0] =	wrdreg $0x0  }
0xa8: {  	s4 =	sshll.u32 s28, $0x1;
	[dreg:$0x2] =	wrdreg s2  }
0xa9: {  	[dreg:$0x3] =	wrdreg s4  }
0xaa: {  	[dreg:$0x4] =	wrdreg $0xC0  }
0xab: {  	_ =	task [dreg:s6], $0x5FFFF  }
0xac: {  	[dreg:$0x1] =	wrdreg $0xFFFFFFFF  }
0xad: {  	[dreg:$0x0] =	wrdreg $0x60  }
0xae: {  	[dreg:$0x2] =	wrdreg s24  }
0xaf: {  	[dreg:$0x3] =	wrdreg $0x9  }
0xb0: {  	_ =	task.clear_ibuf [dreg:s6], $0x4FFFF;
	_ =	strace $0x90000049  }
0xb1: {  	s29 =	simm.s32 $0x9;
	_ =	strace $0x8000004B  }
0xb2: {  	_ =	swait.ge [sflag:s29], $0x1  }
0xb3: {  	[sflag:s29] =	ssyncadd.s32 $0xFFFFFFFF  }
0xb4: {  	_ =	strace $0x9000004B  }
0xb5: {  	_ =	sfence  }
0xb6: {  	s30 =	sld [smem:$0x0];
	_ =	sdelay $0x2  }
0xb7: {  	s31 =	sshll.u32 s1, $0xD;
	s1 =	sshrl.u32 s1, $0x2  }
0xb8: {  	s3 =	sand.u32 $0x4000, s31;
	s1 =	sadd.s32 s1, s30  }
0xb9: {  	s0 =	sor.u32 s3, s0;
	s1 =	sshll.u32 s1, $0x11  }
0xba: {  	s0 =	sor.u32 s1, s0  }
0xbb: {  	s0 =	sadd.s32 $0x8F2B, s0  }
0xbc: {  	[sflag:s0] =	ssyncadd.remote.s32 $0x1  }
0xbd: {  	_ =	sfence.sel $0xFFFF  }
0xbe: {  	[dreg:$0x0] =	wrdreg $0xFFFFFFFF;
	(pc) =	sbr.abs _section_cstart, $3  }
0xbf: {  	[dreg:$0x1] =	wrdreg $0xFFFFFFFF  }
0xc0: {  	_ =	task.clear_ibuf [dreg:s6], $0x2FFFF;
	_ =	strace $0x9FFFFFFF  }
0xc1: {  	(tm) =	ssettm $0x7FFFFFFF  }
tec
execute0_lowered:
.L_overlay_start_1:
0x0: {  	(tag) =	ssettag $0x1  }
0x1: {  	s0 =	srdreg.scid  }
0x2: {  	s9 =	stileid.u32;
	s1 =	rddreg [dreg:$0x0]  }
0x3: {  	s2 =	simm.s32 $0x0;
	s12 =	simm.s32 $0x80;
	s13 =	simm.s32 $0x6400  }
0x4: {  	s14 =	simm.s32 $0xA400;
	s18 =	simm.s32 $0x12400;
	s8 =	smul.u32 $0x640000, s9  }
0x5: {  	s30 =	simm.s32 $0x0;
	s0 =	sand.u32 $0x1, s0;
	s21 =	smul.u32 $0xC8000, s9  }
0x6: {  	s3 =	sshll.u32 s9, $0x1;
	[smem:$0x7FF] =	sst s2;
	s19 =	smul.u32 $0x320000, s0  }
0x7: {  	s4 =	sor.u32 s0, s3;
	s6 =	ssub.s32 $0x2, s0;
	s0 =	smul.u32 $0x64000, s0  }
0x8: {  	_ =	strace $0x8000004A;
	s5 =	smul.u32 $0x6400, s4;
	s7 =	sshrl.u32 s6, $0x1  }
0x9: {  	s3 =	sadd.s32 $0x3A000, s1;
	s4 =	smul.u32 $0x320000, s4;
	s6 =	ssub.s32 s6, s7  }
0xa: {  	s7 =	sadd.s32 s19, s8;
	s19 =	simm.s32 $0x16400;
	s5 =	sshrl.u32 s5, $0x3  }
0xb: {  	s20 =	smax.u32 s6, $0x1;
	s4 =	sshrl.u32 s4, $0x3;
	s22 =	sor.u32 $0x10000, s7  }
0xc: {  	s26 =	sor.u32 $0xC000, s7;
	s28 =	sor.u32 $0x8000, s7;
	s7 =	sor.u32 $0x4000, s7  }
0xd: {  	s5 =	sadd.s32 s5, s1;
	s1 =	sadd.s32 $0x1C0A00, s1;
	[dreg:$0x4] =	wrdreg s20  }
0xe: {  	s24 =	sshrl.u32 s22, $0x3;
	s29 =	sshrl.u32 s28, $0x3;
	s31 =	sshrl.u32 s7, $0x3  }
0xf: {  	s20 =	simm.s32 $0x1;
	s22 =	simm.s32 $0x4;
	s5 =	sadd.s32 $0x21000, s5  }
0x10: {  	s4 =	sadd.s32 s1, s4;
	s23 =	sadd.s32 s21, s1;
	s25 =	sadd.s32 s24, s1  }
0x11: {  	s9 =	sadd.s32 s29, s1;
	s10 =	sadd.s32 s31, s1;
	[dreg:$0x3] =	wrdreg s5  }
0x12: {  	s21 =	simm.s32 $0x2;
	s0 =	sadd.s32 s0, s23;
	[dreg:$0x6] =	wrdreg s25  }
0x13: {  	s4 =	sadd.s32 $0x62800, s4;
	[dreg:$0x5] =	wrdreg s0;
	s0 =	sshrl.u32 s26, $0x3  }
0x14: {  	s23 =	simm.s32 $0x5;
	[dreg:$0x2] =	wrdreg s4;
	s8 =	sadd.s32 s0, s1  }
.LBB2_1:
0x15: {  	s0 =	rddreg [dreg:$0x3];
	s25 =	simm.s32 $0xB  }
0x16: {  	[tilespmem:s2], [sflag:$0xB] =	stream.linear.gather [hbm4b:s0+s2], $0x6400, $0x38;
	[tilespmem:$0x1A400] =	vst v63  }
0x17: {  	_ =	swait.ge [sflag:s25], $0x6400  }
0x18: {  	[sflag:s25] =	ssyncset.done $0x0  }
0x19: {  	[sflag:s25] =	ssyncadd.s32 $0xFFFF9C00  }
0x1a: {  	[tilespmem:s13], [sflag:$0x1] =	stream.indirect.gather [hbm4b:s3+s12], $0x80, s2, s12, $0xb8;
	[tilespmem:$0x1A400] =	vst v63  }
0x1b: {  	_ = 	snop  }
0x1c: {  	[tilespmem:s14], [sflag:$0x2] =	stream.indirect.gather [hbm4b:s3+s12], $0x80, s12, s12, $0xb8;
	[tilespmem:$0x1A400] =	vst v63  }
0x1d: {  	s26 =	simm.s32 $0x100;
	s1 =	simm.s32 $0xE400;
	p0 =	por $0x1, $0x1  }
0x1e: {  	[tilespmem:s1], [sflag:$0x3] =	stream.indirect.gather [hbm4b:s3+s12], $0x80, s26, s12, $0xb8;
	[tilespmem:$0x1A400] =	vst v63  }
0x1f: {  	s28 =	simm.s32 $0x180;
	s0 =	simm.s32 @!p0 $0xA  }
0x20: {  	[tilespmem:s18], [sflag:$0x4] =	stream.indirect.gather [hbm4b:s3+s12], $0x80, s28, s12, $0xb8;
	[tilespmem:$0x1A400] =	vst v63  }
0x21: {  	_ =	swait.ge @!p0 [sflag:s0], $0x4000  }
0x22: {  	[sflag:s0] =	ssyncset.done @!p0 $0x0  }
0x23: {  	s29 =	simm.s32 $0x200;
	[sflag:s0] =	ssyncadd.s32 @!p0 $0xFFFFC000  }
0x24: {  	[tilespmem:s19], [sflag:$0x5] =	stream.indirect.gather [hbm4b:s3+s12], $0x80, s29, s12, $0xb8;
	[tilespmem:$0x1A400] =	vst v63  }
0x25: {  	_ =	swait.ge [sflag:s20], $0x4000  }
0x26: {  	p0 =	por $0x0, $0x0;
	[sflag:s20] =	ssyncset.done $0x0  }
0x27: {  	s0 =	simm.s32 @!p0 $0x6;
	s5 =	rddreg [dreg:$0x5];
	[sflag:s20] =	ssyncadd.s32 $0xFFFFC000  }
0x28: {  	[hbm4b:s5+s2] =	stream.linear.scatter [tilespmem:s13], [sflag:$0x6], $0x4000, $0x38;
	[tilespmem:$0x1A400] =	vst v63  }
0x29: {  	_ =	swait.ge @!p0 [sflag:s0], $0x4000  }
0x2a: {  	s1 =	simm.s32 @!p0 $0x280;
	[sflag:s0] =	ssyncset.done @!p0 $0x0  }
0x2b: {  	s7 =	simm.s32 @!p0 $0x80;
	s4 =	simm.s32 @!p0 $0x6400;
	[sflag:s0] =	ssyncadd.s32 @!p0 $0xFFFFC000  }
0x2c: {  	[tilespmem:s4], [sflag:$0x1] =	stream.indirect.gather @!p0 [hbm4b:s3+s7], $0x80, s1, s7, $0xb8;
	[tilespmem:$0x1A400] =	vst v63  }
0x2d: {  	_ =	swait.ge [sflag:s21], $0x4000  }
0x2e: {  	[sflag:s21] =	ssyncset.done $0x0  }
0x2f: {  	s0 =	simm.s32 @p0 $0x3;
	[sflag:s21] =	ssyncadd.s32 $0xFFFFC000  }
0x30: {  	[hbm4b:s10+s2] =	stream.linear.scatter [tilespmem:s14], [sflag:$0x7], $0x4000, $0x38;
	[tilespmem:$0x1A400] =	vst v63  }
0x31: {  	_ =	swait.ge @p0 [sflag:s0], $0x4000  }
0x32: {  	s11 =	simm.s32 @!p0 $0x7;
	s4 =	simm.s32 @p0 $0xE400;
	[sflag:s0] =	ssyncset.done @p0 $0x0  }
0x33: {  	s1 =	rddreg [dreg:$0x2];
	[sflag:s0] =	ssyncadd.s32 @p0 $0xFFFFC000;
	s0 =	simm.s32 @p0 $0x0  }
0x34: {  	[hbm4b:s1+s0] =	stream.linear.scatter @p0 [tilespmem:s4], [sflag:$0x8], $0x4000, $0x38;
	[tilespmem:$0x1A400] =	vst v63  }
0x35: {  	_ =	swait.ge @!p0 [sflag:s11], $0x4000  }
0x36: {  	s0 =	simm.s32 @!p0 $0x300;
	[sflag:s11] =	ssyncset.done @!p0 $0x0  }
0x37: {  	s1 =	simm.s32 @!p0 $0xA400;
	s4 =	simm.s32 @!p0 $0x3;
	[sflag:s11] =	ssyncadd.s32 @!p0 $0xFFFFC000  }
0x38: {  	[tilespmem:s1], [sflag:$0x2] =	stream.indirect.gather @!p0 [hbm4b:s3+s7], $0x80, s0, s7, $0xb8;
	[tilespmem:$0x1A400] =	vst v63  }
0x39: {  	_ =	swait.ge @!p0 [sflag:s4], $0x4000  }
0x3a: {  	s0 =	simm.s32 @!p0 $0x0;
	[sflag:s4] =	ssyncset.done @!p0 $0x0  }
0x3b: {  	s1 =	simm.s32 @!p0 $0xE400;
	[sflag:s4] =	ssyncadd.s32 @!p0 $0xFFFFC000;
	s4 =	simm.s32 @!p0 $0x8  }
0x3c: {  	[hbm4b:s9+s0] =	stream.linear.scatter @!p0 [tilespmem:s1], [sflag:$0x8], $0x4000, $0x38;
	[tilespmem:$0x1A400] =	vst v63  }
0x3d: {  	_ =	swait.ge @!p0 [sflag:s4], $0x4000  }
0x3e: {  	[sflag:s4] =	ssyncset.done @!p0 $0x0  }
0x3f: {  	s0 =	simm.s32 @!p0 $0x380;
	[sflag:s4] =	ssyncadd.s32 @!p0 $0xFFFFC000  }
0x40: {  	[tilespmem:s1], [sflag:$0x3] =	stream.indirect.gather @!p0 [hbm4b:s3+s7], $0x80, s0, s7, $0xb8;
	[tilespmem:$0x1A400] =	vst v63  }
0x41: {  	_ =	swait.ge [sflag:s22], $0x4000  }
0x42: {  	[sflag:s22] =	ssyncset.done $0x0  }
0x43: {  	s0 =	simm.s32 @!p0 $0x9;
	[sflag:s22] =	ssyncadd.s32 $0xFFFFC000  }
0x44: {  	[hbm4b:s8+s2] =	stream.linear.scatter [tilespmem:s18], [sflag:$0x9], $0x4000, $0x38;
	[tilespmem:$0x1A400] =	vst v63  }
0x45: {  	s17 =	simm.s32 $0xA00;
	s15 =	sadd.s32 $0x2800, s10;
	_ =	swait.ge @!p0 [sflag:s0], $0x4000  }
0x46: {  	p1 =	por $0x0, $0x0;
	s16 =	sadd.s32 $0x2800, s5;
	[sflag:s0] =	ssyncset.done @!p0 $0x0  }
0x47: {  	s11 =	simm.s32 @!p0 $0x12400;
	s1 =	simm.s32 @!p0 $0x400;
	[sflag:s0] =	ssyncadd.s32 @!p0 $0xFFFFC000  }
0x48: {  	[tilespmem:s11], [sflag:$0x4] =	stream.indirect.gather @!p0 [hbm4b:s3+s7], $0x80, s1, s7, $0xb8;
	[tilespmem:$0x1A400] =	vst v63  }
0x49: {  	s4 =	simm.s32 $0x1400;
	s0 =	sadd.s32 $0x2800, s9;
	s7 =	rddreg [dreg:$0x6]  }
0x4a: {  	s1 =	sadd.s32 $0x2800, s8;
	s31 =	sadd.s32 $0x2800, s7;
	_ =	swait.ge [sflag:s23], $0x4000  }
.LBB2_2:
0x4b: {  	[sflag:s23] =	ssyncset.done $0x0  }
0x4c: {  	s11 =	simm.s32 @!p1 $0xA;
	[sflag:s23] =	ssyncadd.s32 $0xFFFFC000  }
0x4d: {  	[hbm4b:s7+s2] =	stream.linear.scatter [tilespmem:s19], [sflag:$0xA], $0x4000, $0x38;
	[tilespmem:$0x1A400] =	vst v63  }
0x4e: {  	_ =	swait.ge @!p1 [sflag:s11], $0x4000  }
0x4f: {  	s24 =	sshra.s32 s17, $0x2;
	[sflag:s11] =	ssyncset.done @!p1 $0x0  }
0x50: {  	s24 =	sadd.s32 $0x200, s24;
	[sflag:s11] =	ssyncadd.s32 @!p1 $0xFFFFC000  }
0x51: {  	[tilespmem:s19], [sflag:$0x5] =	stream.indirect.gather [hbm4b:s3+s12], $0x80, s24, s12, $0xb8;
	[tilespmem:$0x1A400] =	vst v63  }
0x52: {  	_ =	swait.ge [sflag:s20], $0x4000  }
0x53: {  	p1 =	seq.s32 s17, $0x18600;
	[sflag:s20] =	ssyncset.done $0x0  }
0x54: {  	s24 =	simm.s32 @!p1 $0x6;
	[sflag:s20] =	ssyncadd.s32 $0xFFFFC000  }
0x55: {  	[hbm4b:s16+s2] =	stream.linear.scatter [tilespmem:s13], [sflag:$0x6], $0x4000, $0x38;
	[tilespmem:$0x1A400] =	vst v63  }
0x56: {  	_ =	swait.ge @!p1 [sflag:s24], $0x4000  }
0x57: {  	s17 =	sshra.s32 @!p1 s17, $0x2;
	s11 =	simm.s32 @!p1 $0x80;
	[sflag:s24] =	ssyncset.done @!p1 $0x0  }
0x58: {  	s29 =	simm.s32 @!p1 $0x6400;
	s26 =	sadd.s32 @!p1 $0x280, s17;
	[sflag:s24] =	ssyncadd.s32 @!p1 $0xFFFFC000  }
0x59: {  	[tilespmem:s29], [sflag:$0x1] =	stream.indirect.gather @!p1 [hbm4b:s3+s11], $0x80, s26, s11, $0xb8;
	[tilespmem:$0x1A400] =	vst v63  }
0x5a: {  	s25 =	smov.u32 s4;
	s28 =	sadd.s32 @!p1 $0x300, s17;
	_ =	swait.ge [sflag:s21], $0x4000  }
0x5b: {  	s6 =	sadd.s32 @!p1 $0x380, s17;
	s24 =	sadd.s32 @!p1 $0x400, s17;
	[sflag:s21] =	ssyncset.done $0x0  }
0x5c: {  	s17 =	smov.u32 s25;
	s25 =	simm.s32 @p1 $0x3;
	[sflag:s21] =	ssyncadd.s32 $0xFFFFC000  }
0x5d: {  	[hbm4b:s15+s2] =	stream.linear.scatter [tilespmem:s14], [sflag:$0x7], $0x4000, $0x38;
	[tilespmem:$0x1A400] =	vst v63  }
0x5e: {  	_ =	swait.ge @p1 [sflag:s25], $0x4000  }
0x5f: {  	s5 =	simm.s32 @!p1 $0x7;
	s29 =	simm.s32 @p1 $0xE400;
	[sflag:s25] =	ssyncset.done @p1 $0x0  }
0x60: {  	s26 =	rddreg [dreg:$0x2];
	[sflag:s25] =	ssyncadd.s32 @p1 $0xFFFFC000;
	s25 =	simm.s32 @p1 $0x0  }
0x61: {  	[hbm4b:s26+s25] =	stream.linear.scatter @p1 [tilespmem:s29], [sflag:$0x8], $0x4000, $0x38;
	[tilespmem:$0x1A400] =	vst v63  }
0x62: {  	_ =	swait.ge @!p1 [sflag:s5], $0x4000  }
0x63: {  	[sflag:s5] =	ssyncset.done @!p1 $0x0  }
0x64: {  	s25 =	simm.s32 @!p1 $0xA400;
	[sflag:s5] =	ssyncadd.s32 @!p1 $0xFFFFC000;
	s5 =	simm.s32 @!p1 $0x3  }
0x65: {  	[tilespmem:s25], [sflag:$0x2] =	stream.indirect.gather @!p1 [hbm4b:s3+s11], $0x80, s28, s11, $0xb8;
	[tilespmem:$0x1A400] =	vst v63  }
0x66: {  	_ =	swait.ge @!p1 [sflag:s5], $0x4000  }
0x67: {  	s26 =	simm.s32 @!p1 $0xE400;
	[sflag:s5] =	ssyncset.done @!p1 $0x0  }
0x68: {  	s25 =	simm.s32 @!p1 $0x0;
	[sflag:s5] =	ssyncadd.s32 @!p1 $0xFFFFC000;
	s5 =	simm.s32 @!p1 $0x8  }
0x69: {  	[hbm4b:s0+s25] =	stream.linear.scatter @!p1 [tilespmem:s26], [sflag:$0x8], $0x4000, $0x38;
	[tilespmem:$0x1A400] =	vst v63  }
0x6a: {  	_ =	swait.ge @!p1 [sflag:s5], $0x4000  }
0x6b: {  	[sflag:s5] =	ssyncset.done @!p1 $0x0  }
0x6c: {  	[sflag:s5] =	ssyncadd.s32 @!p1 $0xFFFFC000  }
0x6d: {  	[tilespmem:s26], [sflag:$0x3] =	stream.indirect.gather @!p1 [hbm4b:s3+s11], $0x80, s6, s11, $0xb8;
	[tilespmem:$0x1A400] =	vst v63  }
0x6e: {  	s4 =	sadd.s32 $0xA00, s4;
	_ =	swait.ge [sflag:s22], $0x4000  }
0x6f: {  	p0 =	sne.s32 s4, $0x19000;
	[sflag:s22] =	ssyncset.done $0x0  }
0x70: {  	s7 =	smov.u32 s31;
	s5 =	simm.s32 @!p1 $0x9;
	[sflag:s22] =	ssyncadd.s32 $0xFFFFC000  }
0x71: {  	[hbm4b:s1+s2] =	stream.linear.scatter [tilespmem:s18], [sflag:$0x9], $0x4000, $0x38;
	[tilespmem:$0x1A400] =	vst v63  }
.Ltmp0:
0x72: {  	s31 =	sadd.s32 $0x2800, s31;
	_ =	swait.ge @!p1 [sflag:s5], $0x4000;
	(pc) =	sbr.rel @p0 .LBB2_2-.Ltmp0, $4  }
0x73: {  	s16 =	sadd.s32 $0x2800, s16;
	s15 =	sadd.s32 $0x2800, s15;
	[sflag:s5] =	ssyncset.done @!p1 $0x0  }
0x74: {  	s0 =	sadd.s32 $0x2800, s0;
	s6 =	simm.s32 @!p1 $0x12400;
	[sflag:s5] =	ssyncadd.s32 @!p1 $0xFFFFC000  }
0x75: {  	[tilespmem:s6], [sflag:$0x4] =	stream.indirect.gather @!p1 [hbm4b:s3+s11], $0x80, s24, s11, $0xb8;
	[tilespmem:$0x1A400] =	vst v63  }
0x76: {  	s1 =	sadd.s32 $0x2800, s1;
	p1 =	seq.s32 s17, $0x0;
	_ =	swait.ge [sflag:s23], $0x4000  }
0x77: {  	[sflag:s23] =	ssyncset.done $0x0  }
0x78: {  	s4 =	simm.s32 @!p1 $0xA;
	[sflag:s23] =	ssyncadd.s32 $0xFFFFC000  }
0x79: {  	[hbm4b:s7+s2] =	stream.linear.scatter [tilespmem:s19], [sflag:$0xA], $0x4000, $0x38;
	[tilespmem:$0x1A400] =	vst v63  }
0x7a: {  	_ =	swait.ge @!p1 [sflag:s4], $0x4000  }
0x7b: {  	s5 =	sshra.s32 s17, $0x2;
	[sflag:s4] =	ssyncset.done @!p1 $0x0  }
0x7c: {  	s5 =	sadd.s32 $0x200, s5;
	[sflag:s4] =	ssyncadd.s32 @!p1 $0xFFFFC000  }
0x7d: {  	[tilespmem:s19], [sflag:$0x5] =	stream.indirect.gather [hbm4b:s3+s12], $0x80, s5, s12, $0xb8;
	[tilespmem:$0x1A400] =	vst v63  }
0x7e: {  	_ =	swait.ge [sflag:s20], $0x4000  }
0x7f: {  	p0 =	seq.s32 s17, $0x18600;
	[sflag:s20] =	ssyncset.done $0x0  }
0x80: {  	s4 =	simm.s32 @!p0 $0x6;
	[sflag:s20] =	ssyncadd.s32 $0xFFFFC000  }
0x81: {  	[hbm4b:s16+s2] =	stream.linear.scatter [tilespmem:s13], [sflag:$0x6], $0x4000, $0x38;
	[tilespmem:$0x1A400] =	vst v63  }
0x82: {  	_ =	swait.ge @!p0 [sflag:s4], $0x4000  }
0x83: {  	s7 =	simm.s32 @!p0 $0x80;
	s5 =	sshra.s32 @!p0 s17, $0x2;
	[sflag:s4] =	ssyncset.done @!p0 $0x0  }
0x84: {  	s6 =	sadd.s32 @!p0 $0x280, s5;
	[sflag:s4] =	ssyncadd.s32 @!p0 $0xFFFFC000;
	s4 =	simm.s32 @!p0 $0x6400  }
0x85: {  	[tilespmem:s4], [sflag:$0x1] =	stream.indirect.gather @!p0 [hbm4b:s3+s7], $0x80, s6, s7, $0xb8;
	[tilespmem:$0x1A400] =	vst v63  }
0x86: {  	_ =	swait.ge [sflag:s21], $0x4000  }
0x87: {  	[sflag:s21] =	ssyncset.done $0x0  }
0x88: {  	s4 =	simm.s32 @p0 $0x3;
	[sflag:s21] =	ssyncadd.s32 $0xFFFFC000  }
0x89: {  	[hbm4b:s15+s2] =	stream.linear.scatter [tilespmem:s14], [sflag:$0x7], $0x4000, $0x38;
	[tilespmem:$0x1A400] =	vst v63  }
0x8a: {  	_ =	swait.ge @p0 [sflag:s4], $0x4000  }
0x8b: {  	s11 =	simm.s32 @p0 $0xE400;
	[sflag:s4] =	ssyncset.done @p0 $0x0  }
0x8c: {  	s6 =	rddreg [dreg:$0x2];
	[sflag:s4] =	ssyncadd.s32 @p0 $0xFFFFC000;
	s4 =	simm.s32 @p0 $0x0  }
0x8d: {  	[hbm4b:s6+s4] =	stream.linear.scatter @p0 [tilespmem:s11], [sflag:$0x8], $0x4000, $0x38;
	[tilespmem:$0x1A400] =	vst v63  }
0x8e: {  	s4 =	simm.s32 @!p0 $0x7  }
0x8f: {  	_ =	swait.ge @!p0 [sflag:s4], $0x4000  }
0x90: {  	[sflag:s4] =	ssyncset.done @!p0 $0x0  }
0x91: {  	s6 =	sadd.s32 @!p0 $0x300, s5;
	[sflag:s4] =	ssyncadd.s32 @!p0 $0xFFFFC000;
	s4 =	simm.s32 @!p0 $0xA400  }
0x92: {  	[tilespmem:s4], [sflag:$0x2] =	stream.indirect.gather @!p0 [hbm4b:s3+s7], $0x80, s6, s7, $0xb8;
	[tilespmem:$0x1A400] =	vst v63  }
0x93: {  	s4 =	simm.s32 @!p0 $0x3  }
0x94: {  	_ =	swait.ge @!p0 [sflag:s4], $0x4000  }
0x95: {  	[sflag:s4] =	ssyncset.done @!p0 $0x0  }
0x96: {  	s6 =	simm.s32 @!p0 $0x0;
	[sflag:s4] =	ssyncadd.s32 @!p0 $0xFFFFC000;
	s4 =	simm.s32 @!p0 $0xE400  }
0x97: {  	[hbm4b:s0+s6] =	stream.linear.scatter @!p0 [tilespmem:s4], [sflag:$0x8], $0x4000, $0x38;
	[tilespmem:$0x1A400] =	vst v63  }
0x98: {  	s0 =	simm.s32 @!p0 $0x8  }
0x99: {  	_ =	swait.ge @!p0 [sflag:s0], $0x4000  }
0x9a: {  	[sflag:s0] =	ssyncset.done @!p0 $0x0  }
0x9b: {  	[sflag:s0] =	ssyncadd.s32 @!p0 $0xFFFFC000;
	s0 =	sadd.s32 @!p0 $0x380, s5  }
0x9c: {  	[tilespmem:s4], [sflag:$0x3] =	stream.indirect.gather @!p0 [hbm4b:s3+s7], $0x80, s0, s7, $0xb8;
	[tilespmem:$0x1A400] =	vst v63  }
0x9d: {  	_ =	swait.ge [sflag:s22], $0x4000  }
0x9e: {  	[sflag:s22] =	ssyncset.done $0x0  }
0x9f: {  	s0 =	simm.s32 @!p0 $0x9;
	[sflag:s22] =	ssyncadd.s32 $0xFFFFC000  }
0xa0: {  	[hbm4b:s1+s2] =	stream.linear.scatter [tilespmem:s18], [sflag:$0x9], $0x4000, $0x38;
	[tilespmem:$0x1A400] =	vst v63  }
0xa1: {  	_ =	swait.ge @!p0 [sflag:s0], $0x4000  }
0xa2: {  	[sflag:s0] =	ssyncset.done @!p0 $0x0  }
0xa3: {  	s1 =	sadd.s32 @!p0 $0x400, s5;
	[sflag:s0] =	ssyncadd.s32 @!p0 $0xFFFFC000;
	s0 =	simm.s32 @!p0 $0x12400  }
0xa4: {  	[tilespmem:s0], [sflag:$0x4] =	stream.indirect.gather @!p0 [hbm4b:s3+s7], $0x80, s1, s7, $0xb8;
	[tilespmem:$0x1A400] =	vst v63  }
0xa5: {  	_ =	swait.ge [sflag:s23], $0x4000  }
0xa6: {  	[sflag:s23] =	ssyncset.done $0x0  }
0xa7: {  	s24 =	simm.s32 $0x6;
	[sflag:s23] =	ssyncadd.s32 $0xFFFFC000  }
0xa8: {  	[hbm4b:s31+s2] =	stream.linear.scatter [tilespmem:s19], [sflag:$0xA], $0x4000, $0x38;
	[tilespmem:$0x1A400] =	vst v63  }
0xa9: {  	_ =	swait.ge [sflag:s24], $0x4000  }
0xaa: {  	[sflag:s24] =	ssyncset.done $0x0  }
0xab: {  	s25 =	simm.s32 $0x7;
	[sflag:s24] =	ssyncadd.s32 $0xFFFFC000  }
0xac: {  	_ =	swait.ge [sflag:s25], $0x4000  }
0xad: {  	[sflag:s25] =	ssyncset.done $0x0  }
0xae: {  	s26 =	simm.s32 $0x8;
	[sflag:s25] =	ssyncadd.s32 $0xFFFFC000  }
0xaf: {  	_ =	swait.ge [sflag:s26], $0x4000  }
0xb0: {  	[sflag:s26] =	ssyncset.done $0x0  }
0xb1: {  	s28 =	simm.s32 $0x9;
	[sflag:s26] =	ssyncadd.s32 $0xFFFFC000  }
0xb2: {  	_ =	swait.ge [sflag:s28], $0x4000  }
0xb3: {  	[sflag:s28] =	ssyncset.done $0x0  }
0xb4: {  	s29 =	simm.s32 $0xA;
	[sflag:s28] =	ssyncadd.s32 $0xFFFFC000  }
0xb5: {  	_ =	swait.ge [sflag:s29], $0x4000  }
0xb6: {  	s30 =	sadd.s32 $0x1, s30;
	s31 =	rddreg [dreg:$0x4]  }
0xb7: {  	p0 =	sne.s32 s30, s31  }
.Ltmp1:
0xb8: {  	_ = 	snop;
	(pc) =	sbr.rel @p0 .LBB2_1-.Ltmp1, $3  }
0xb9: {  	_ =	sdelay $0x1  }
0xba: {  	[sflag:s29] =	ssyncset.done $0x0  }
0xbb: {  	[sflag:s29] =	ssyncadd.s32 $0xFFFFC000  }
0xbc: {  	_ =	sfence.sel $0x180000  }
0xbd: {  	[bflag:$0x0] =	sbarrier.arrive $0xFFFF  }
0xbe: {  	_ =	strace $0x9000004A  }
0xbf: {  	s0 =	stileid.u32;
	[bflag:$0x2] =	sbarrier.arrive $0xFFFF  }
0xc0: {  	p0 =	sne.s32 s0, $0x0;
	s0 =	rddreg [dreg:$0x1]  }
0xc1: {  	s0 =	sadd.s32 @!p0 $0x100000, s0  }
0xc2: {  	[sflag:s0] =	ssyncadd.tile.s32 @!p0 $0x1;
	_ =	shalt  }
.Lfunc_end2:
_tile_overlayer_lowered:
.L_overlay_start_2:
0xc3: {  	(tag) =	ssettag $0x2  }
0xc4: {  	s0 =	rddreg [dreg:$0x0];
	s2 =	stileid.u32  }
0xc5: {  	s1 =	rddreg [dreg:$0x1];
	p0 =	sne.s32 s2, $0x0  }
0xc6: {  	s3 =	rddreg [dreg:$0x2];
	[bflag:$0x3] =	sbarrier.arrive $0xFFFF;
	s2 =	simm.s32 @!p0 $0x1C0B  }
0xc7: {  	[timem:s3], [sflag:s2] =	dma.local @!p0 [hbm:s0], s1  }
0xc8: {  	s0 =	simm.s32 @!p0 $0xB  }
0xc9: {  	_ =	swait.ge @!p0 [sflag:s0], s1  }
0xca: {  	s1 =	ssub.s32 @!p0 $0x0, s1;
	[sflag:s0] =	ssyncset.done @!p0 $0x0  }
0xcb: {  	[sflag:s0] =	ssyncadd.s32 @!p0 s1  }
0xcc: {  	[bflag:$0x3] =	sbarrier.arrive $0xFFFF  }
0xcd: {  	_ =	shalt  }

// kernel: sparse-core-data-format-call.cloned.1.call-start
scs
called_computation_lowered:
.L_overlay_start_0:
0x0: {  	s2 =	sld [smem:$0x3FD9]  }
0x1: {  	s3 =	sld [smem:$0x3FFE];
	_ =	sdelay $0x1  }
0x2: {  	s1 =	srdreg.scid  }
0x3: {  	s0 =	sand.u32 $0x1, s1  }
0x4: {  	s18 =	sshll.u32 s0, $0xA;
	s2 =	sadd.s32 s3, s2  }
0x5: {  	s2 =	sadd.s32 s2, s18  }
0x6: {  	[smem:$0x3FC3] =	sst s2  }
0x7: {  	_ = 	snop  }
0x8: {  	s2 =	sld [smem:$0x3FD0];
	(tm) =	ssettm $0x1  }
0x9: {  	s19 =	sld [smem:$0x3FFB];
	_ =	sdelay $0x3  }
0xa: {  	_ =	strace s19  }
0xb: {  	s3 =	sld [smem:$0x3FFC];
	_ =	sdelay $0x3  }
0xc: {  	_ =	strace s3  }
0xd: {  	s3 =	sld [smem:$0x3FFD];
	_ =	sdelay $0x3  }
0xe: {  	_ =	strace s3  }
0xf: {  	_ =	strace $0x8FFFFFFF  }
0x10: {  	s20 =	sld [smem:$0x3FDB];
	_ =	sdelay $0x1  }
0x11: {  	s4 =	simm.s32 $_scs_section_size  }
0x12: {  	s5 =	simm.s32 $_size__tile_overlayer_lowered;
	s6 =	simm.s32 $_tile_overlayer_lowered  }
0x13: {  	s23 =	simm.s32 $0x1BFF;
	s22 =	sshll.u32 s6, $0x1;
	s3 =	sadd.s32 s4, s20  }
0x14: {  	s7 =	simm.s32 $0x0;
	s21 =	sshll.u32 s5, $0x1;
	s5 =	sadd.s32 s22, s3  }
0x15: {  	[timem:s7], [sflag:s23] =	dma.local [hbm:s5], s21  }
0x16: {  	_ =	swait.ge [sflag:s23], s21  }
0x17: {  	s4 =	ssub.s32 $0x0, s21;
	[sflag:s23] =	ssyncset.done $0x0  }
0x18: {  	[sflag:s23] =	ssyncadd.s32 s4;
	_ =	sdelay $0x1  }
0x19: {  	s24 =	simm.s32 $0x1B8B  }
0x1a: {  	_ =	swait.ge [sflag:s24], $0x1  }
0x1b: {  	[sflag:s24] =	ssyncset.done $0x0  }
0x1c: {  	s26 =	simm.s32 $0x1B8E;
	s25 =	sld [smem:$0x3FFE];
	[sflag:s24] =	ssyncadd.s32 $0xFFFFFFFF  }
0x1d: {  	s27 =	simm.s32 $execute0_lowered;
	[smem:$0x3FD2] =	sst s26  }
0x1e: {  	s5 =	sshll.u32 s27, $0x1;
	_ =	strace $0x8000004C;
	[dreg:$0x1] =	wrdreg $0xFFFFFFFF  }
0x1f: {  	s28 =	simm.s32 $_size_execute0_lowered;
	s3 =	sadd.s32 s3, s5;
	[dreg:$0x0] =	wrdreg $0x0  }
0x20: {  	s5 =	sshll.u32 s28, $0x1;
	[dreg:$0x2] =	wrdreg s3  }
0x21: {  	[dreg:$0x3] =	wrdreg s5  }
0x22: {  	[dreg:$0x4] =	wrdreg $0xC0  }
0x23: {  	_ =	task [dreg:s7], $0x5FFFF  }
0x24: {  	[dreg:$0x1] =	wrdreg $0xFFFFFFFF  }
0x25: {  	[dreg:$0x0] =	wrdreg $0x60  }
0x26: {  	[dreg:$0x2] =	wrdreg s25  }
0x27: {  	[dreg:$0x3] =	wrdreg s2  }
0x28: {  	[dreg:$0x4] =	wrdreg $0x9  }
0x29: {  	_ =	task.clear_ibuf [dreg:s7], $0x5FFFF;
	_ =	strace $0x9000004C  }
0x2a: {  	s29 =	simm.s32 $0x9;
	_ =	strace $0x8000004E  }
0x2b: {  	_ =	swait.ge [sflag:s29], $0x1  }
0x2c: {  	[sflag:s29] =	ssyncadd.s32 $0xFFFFFFFF  }
0x2d: {  	_ =	strace $0x9000004E  }
0x2e: {  	_ =	sfence  }
0x2f: {  	s30 =	sld [smem:$0x0];
	_ =	sdelay $0x2  }
0x30: {  	s31 =	sshll.u32 s1, $0xD;
	s1 =	sshrl.u32 s1, $0x2  }
0x31: {  	s3 =	sand.u32 $0x4000, s31;
	s1 =	sadd.s32 s1, s30  }
0x32: {  	s0 =	sor.u32 s3, s0;
	s1 =	sshll.u32 s1, $0x11  }
0x33: {  	s0 =	sor.u32 s1, s0  }
0x34: {  	s0 =	sadd.s32 $0x8F2B, s0  }
0x35: {  	[sflag:s0] =	ssyncadd.remote.s32 $0x1  }
0x36: {  	_ =	sfence.sel $0xFFFF  }
0x37: {  	[dreg:$0x0] =	wrdreg $0xFFFFFFFF;
	(pc) =	sbr.abs _section_cstart, $3  }
0x38: {  	[dreg:$0x1] =	wrdreg $0xFFFFFFFF  }
0x39: {  	_ =	task.clear_ibuf [dreg:s7], $0x2FFFF;
	_ =	strace $0x9FFFFFFF  }
0x3a: {  	(tm) =	ssettm $0x7FFFFFFF  }
0x3b: {  	_ =	shalt  }
tec
execute0_lowered:
.L_overlay_start_1:
0x0: {  	(tag) =	ssettag $0x1  }
0x1: {  	s0 =	srdreg.scid  }
0x2: {  	s1 =	sshll.u32 s0, $0x4  }
0x3: {  	s6 =	rddreg [dreg:$0x0];
	s0 =	stileid.u32;
	s1 =	sand.u32 $0x10, s1  }
0x4: {  	s3 =	rddreg [dreg:$0x1];
	s1 =	sor.u32 s0, s1  }
0x5: {  	s5 =	simm.s32 $0x1;
	s31 =	simm.s32 $0x2;
	s2 =	sshll.u32 s1, $0x7  }
0x6: {  	s15 =	simm.s32 $0x0;
	s8 =	simm.s32 $0x8000;
	s4 =	ssub.s32 $0x1000, s2  }
0x7: {  	s14 =	simm.s32 $0x0;
	s9 =	simm.s32 $0x0;
	s30 =	sand.u32 $0xF80, s4  }
0x8: {  	s10 =	simm.s32 $0x0;
	s11 =	simm.s32 $0x0;
	p0 =	sne.s32 s30, $0x0  }
.Ltmp0:
0x9: {  	s7 =	sshrl.u32 s4, $0xC;
	s5 =	simm.s32 @!p0 $0x0;
	(pc) =	sbr.rel .LBB1_1-.Ltmp0, $4  }
0xa: {  	s13 =	simm.s32 $0x0;
	s1 =	rddreg [dreg:$0x2];
	s5 =	sadd.s32 s5, s7  }
0xb: {  	_ =	strace $0x8000004D;
	s4 =	simm.s32 $0x1;
	s5 =	smul.u32 $0xC8, s5  }
0xc: {  	s6 =	sadd.s32 $0x1C0A00, s6;
	s12 =	smov.u32 s2;
	[sflag:s4] =	ssyncpa.u1 $0x0  }
0xd: {  	[sflag:s31] =	ssyncpa.u1 $0x0;
	p0 =	por $0x0, $0x0;
	s7 =	sor.u32 $0x1, s5  }
.LBB1_4:
0xe: {  	s20 =	sshra.s32 s20, $0x2;
	s28 =	sshll.u32 s10, $0x3;
	p1 =	sgt.s32 s9, $0xC7  }
0xf: {  	s21 =	smov.u32 s9;
	s23 =	sshra.s32 s9, $0x1F;
	s24 =	smov.u32 s10  }
0x10: {  	v5 =	vld [tilespmem:s17+$0xFFFFFFD0];
	[tilespmem:s18+$0x2040 ss:$0x81] =	vst.msk $0xffff, v4;
	s25 =	sshra.s32 s10, $0x1F;
	s26 =	sand.u32 $0x78, s10;
	s19 =	sadd.s32 s20, s19  }
0x11: {  	v58 =	vld [tilespmem:s17+$0xFFFFFFE0];
	[tilespmem:s18+$0x2850 ss:$0x81] =	vst.msk $0xffff, v3;
	s22 =	sshrl.u32 s28, $0xC;
	s21 =	simm.s32 @!p1 $0xC7;
	s23 =	sand.u32 s23, s9  }
0x12: {  	v59 =	vld [tilespmem:s17+$0xFFFFFFF0];
	[tilespmem:s18+$0x3060 ss:$0x81] =	vst.msk $0xffff, v2;
	p1 =	sgt.s32 s10, $0xF80;
	s29 =	sand.u32 s25, s10;
	s20 =	sand.u32 $0xC00, s28  }
0x13: {  	v60 =	vld [tilespmem:s17+$0x0];
	[tilespmem:s18+$0x0 ss:$0x81] =	vst.msk $0xffff, v0;
	s28 =	smul.u32 $0xF000, s9;
	s21 =	ssub.s32 s21, s23;
	s24 =	simm.s32 @!p1 $0xF80  }
0x14: {  	v61 =	vld [tilespmem:s17+$0x10];
	s30 =	smulhi.u32 $0x2222223, s22;
	[tilespmem:s19+$0x3870 ss:$0x81] =	vst.msk $0xffff, v1;
	s20 =	sor.u32 s26, s20;
	s31 =	ssub.s32 $0xC8, s21  }
0x15: {  	v62 =	vld [tilespmem:s17+$0x20];
	s23 =	ssub.s32 s24, s29;
	s21 =	sadd.s32 $0xFFFFFF39, s21;
	s25 =	smul.u32 $0x78, s31;
	[tilespmem:s19+$0x810 ss:$0x81] =	vst.msk $0xffff, v5  }
0x16: {  	v63 =	vld [tilespmem:s17+$0xFFFFFFC0];
	s18 =	smul.u32 $0x78, s30;
	p1 =	sgt.s32 s21, $0x0;
	s27 =	sadd.s32 $0xFFFFF080, s23;
	[tilespmem:s19+$0x1020 ss:$0x81] =	vst.msk $0xffff, v58  }
0x17: {  	s17 =	ssub.s32 $0x1000, s23;
	[tilespmem:s19+$0x1830 ss:$0x81] =	vst.msk $0xffff, v59;
	s25 =	simm.s32 @p1 $0x0;
	p1 =	sgt.s32 s27, $0x7F  }
0x18: {  	s29 =	sand.u32 $0x7, s10;
	[tilespmem:s19+$0x2040 ss:$0x81] =	vst.msk $0xffff, v60;
	s18 =	ssub.s32 s22, s18;
	s17 =	simm.s32 @p1 $0x0  }
0x19: {  	s21 =	sadd.s32 s3, s28;
	[tilespmem:s19+$0x2850 ss:$0x81] =	vst.msk $0xffff, v61;
	s18 =	sshll.u32 s18, $0x9;
	s17 =	smul.u32 s17, s25  }
0x1a: {  	s20 =	sshrl.u32 s20, $0x3;
	s30 =	sshll.u32 s29, $0x12;
	[tilespmem:s19+$0x3060 ss:$0x81] =	vst.msk $0xffff, v62;
	s18 =	sadd.s32 s18, s21  }
0x1b: {  	[tilespmem:s19+$0x0 ss:$0x81] =	vst.msk $0xffff, v63;
	s31 =	sor.u32 $0x400, s30;
	s18 =	sadd.s32 s20, s18;
	s17 =	sand.u32 $0x3FFFFFF8, s17  }
0x1c: {  	[hbm4b:s18+s31] =	stream.strided.scatter [tilespmem:s16], [sflag:$0x2], s17, s8, s31, $0x20;
	[tilespmem:$0x10100] =	vst v63  }
.LBB1_5:
0x1d: {  	p1 =	slt.u32 s13, $0x2  }
0x1e: {  	s17 =	smov.u32 s15;
	p2 =	sgt.s32 @!p1 s15, $0xC7;
	s16 =	sshra.s32 @!p1 s15, $0x1F  }
0x1f: {  	p3 =	sgt.s32 @!p1 s14, $0xF80;
	s18 =	sshra.s32 @!p1 s14, $0x1F;
	p2 =	por !p2, p1  }
0x20: {  	s15 =	sand.u32 @!p1 s16, s15;
	p3 =	por !p3, p1;
	s16 =	smov.u32 s14  }
0x21: {  	s14 =	sand.u32 @!p1 s18, s14;
	s17 =	simm.s32 @p2 $0xC7;
	s16 =	simm.s32 @p3 $0xF80  }
0x22: {  	s18 =	smov.u32 s12;
	s15 =	ssub.s32 @!p1 s17, s15;
	s14 =	ssub.s32 @!p1 s16, s14  }
0x23: {  	s16 =	sadd.s32 @!p1 $0xFFFFFF39, s15;
	s15 =	ssub.s32 @!p1 $0xC8, s15;
	s17 =	sadd.s32 @!p1 $0xFFFFF080, s14  }
0x24: {  	p2 =	sgt.s32 @!p1 s16, $0x0;
	s15 =	smul.u32 @!p1 $0x78, s15;
	p3 =	sgt.s32 @!p1 s17, $0x7F  }
0x25: {  	s14 =	ssub.s32 @!p1 $0x1000, s14;
	p2 =	por !p2, p1;
	p3 =	por !p3, p1  }
0x26: {  	s16 =	sadd.s32 $0x1, s11;
	s15 =	simm.s32 @!p2 $0x0;
	s14 =	simm.s32 @!p3 $0x0  }
0x27: {  	p2 =	sgt.s32 s16, $0xC7;
	s14 =	smul.u32 @!p1 s14, s15;
	s15 =	sadd.s32 $0x1000, s12  }
0x28: {  	s18 =	smov.u32 @p2 s15  }
0x29: {  	s16 =	simm.s32 @p2 $0x0;
	p2 =	sgt.s32 s18, $0xFFF  }
0x2a: {  	s18 =	smov.u32 @p2 s2;
	p2 =	sne.s32 s13, s7  }
.Ltmp1:
0x2b: {  	p0 =	por !p0, !p0;
	s17 =	simm.s32 @!p1 $0x2;
	(pc) =	sbr.rel @!p2 .LBB1_6-.Ltmp1, $4  }
0x2c: {  	s15 =	smov.u32 s9;
	s9 =	smov.u32 s11;
	s14 =	sand.u32 @!p1 $0x3FFFFFF8, s14  }
0x2d: {  	s11 =	smov.u32 s16;
	_ =	swait.ge @!p1 [sflag:s17], s14;
	s19 =	ssub.s32 @!p1 $0x0, s14  }
0x2e: {  	s14 =	smov.u32 s10;
	s13 =	sadd.s32 $0x1, s13;
	[sflag:s17] =	ssyncset.done @!p1 $0x0  }
0x2f: {  	s10 =	smov.u32 s12;
	s12 =	smov.u32 s18;
	[sflag:s17] =	ssyncadd.s32 @!p1 s19  }
.LBB1_1:
0x30: {  	p1 =	sge.u32 s13, s5  }
0x31: {  	s16 =	sand.u32 @!p1 $0x1FFFFFF, s11  }
0x32: {  	s17 =	smulhi.u32 @!p1 $0x147AE15, s16;
	_ =	sdelay $0x1  }
0x33: {  	s17 =	smul.u32 @!p1 $0xC8, s17  }
0x34: {  	s18 =	sxor.u32 @!p1 $0xFFFFFFFF, s13;
	s19 =	smul.u32 @!p1 $0xC80, s12  }
0x35: {  	s31 =	sadd.s32 $0xFFFFFFFF, s13;
	s18 =	sshll.u32 @!p1 s18, $0xE;
	s16 =	ssub.s32 @!p1 s16, s17  }
0x36: {  	s17 =	sand.u32 @!p1 $0x4000, s18;
	s18 =	sadd.s32 @!p1 s6, s19;
	s16 =	sshll.u32 @!p1 s16, $0x4  }
0x37: {  	s19 =	simm.s32 @!p1 $0x6400;
	s16 =	sadd.s32 @!p1 s16, s18;
	s18 =	simm.s32 @!p1 $0x80  }
0x38: {  	[tilespmem:s17], [sflag:$0x1] =	stream.strided.gather @!p1 [hbm4b:s16+s18], $0x4000, s19, s18, $0x38;
	[tilespmem:$0x10100] =	vst v63  }
0x39: {  	p1 =	sge.u32 s31, s5  }
.Ltmp2:
0x3a: {  	_ = 	snop;
	(pc) =	sbr.rel @p1 .LBB1_5-.Ltmp2, $1  }
0x3b: {  	_ =	sdelay $0x3  }
0x3c: {  	s16 =	simm.s32 $0x1  }
0x3d: {  	_ =	swait.ge [sflag:s4], $0x4000;
	s16 =	simm.s32 @!p0 $0x0  }
0x3e: {  	[sflag:s4] =	ssyncset.done $0x0;
	s17 =	sshll.u32 s16, $0xE  }
0x3f: {  	[sflag:s4] =	ssyncadd.s32 $0xFFFFC000;
	s17 =	sor.u32 $0x40, s17  }
0x40: {  	s16 =	smul.u32 $0x10200, s16;
	v0 =	vld [tilespmem:s17+$0x30]  }
0x41: {  	v1 =	vld [tilespmem:s17+$0xFFFFFFD0]  }
0x42: {  	s16 =	sshrl.u32 s16, $0x2;
	v5 =	vld [tilespmem:s17+$0xFFFFFFE0]  }
0x43: {  	v6 =	vld [tilespmem:s17+$0xFFFFFFF0];
	s19 =	sor.u32 $0x8000, s16  }
0x44: {  	s31 =	sand.u32 $0x1, s13;
	v4 =	vld [tilespmem:s17+$0x0];
	s18 =	sadd.s32 $0x0, s19  }
0x45: {  	v3 =	vld [tilespmem:s17+$0x10];
	s16 =	smul.u32 $0x10200, s31;
	[tilespmem:s18+$0x3870 ss:$0x81] =	vst.msk $0xffff, v0  }
0x46: {  	v2 =	vld [tilespmem:s17+$0x20];
	[tilespmem:s18+$0x810 ss:$0x81] =	vst.msk $0xffff, v1  }
0x47: {  	s16 =	sshrl.u32 s16, $0x2;
	v0 =	vld [tilespmem:s17+$0xFFFFFFC0];
	[tilespmem:s18+$0x1020 ss:$0x81] =	vst.msk $0xffff, v5;
	s17 =	sadd.s32 $0x80, s17  }
0x48: {  	s20 =	simm.s32 $0x4;
	s21 =	simm.s32 $0x8;
	s16 =	sor.u32 $0x8000, s16;
	[tilespmem:s18+$0x1830 ss:$0x81] =	vst.msk $0xffff, v6;
	v1 =	vld [tilespmem:s17+$0x30]  }
.LBB1_3:
0x49: {  	p1 =	sne.s32 s21, $0x1FC;
	v5 =	vld [tilespmem:s17+$0xFFFFFFD0];
	[tilespmem:s18+$0x2040 ss:$0x81] =	vst.msk $0xffff, v4  }
0x4a: {  	v6 =	vld [tilespmem:s17+$0xFFFFFFE0];
	[tilespmem:s18+$0x2850 ss:$0x81] =	vst.msk $0xffff, v3  }
0x4b: {  	s22 =	sshra.s32 s20, $0x2;
	s20 =	smov.u32 s21;
	v7 =	vld [tilespmem:s17+$0xFFFFFFF0];
	[tilespmem:s18+$0x3060 ss:$0x81] =	vst.msk $0xffff, v2  }
.Ltmp3:
0x4c: {  	v4 =	vld [tilespmem:s17+$0x0];
	[tilespmem:s18+$0x0 ss:$0x81] =	vst.msk $0xffff, v0;
	s18 =	sadd.s32 s22, s19;
	(pc) =	sbr.rel @p1 .LBB1_3-.Ltmp3, $4  }
0x4d: {  	v3 =	vld [tilespmem:s17+$0x10];
	[tilespmem:s18+$0x3870 ss:$0x81] =	vst.msk $0xffff, v1  }
0x4e: {  	[tilespmem:s18+$0x810 ss:$0x81] =	vst.msk $0xffff, v5;
	v2 =	vld [tilespmem:s17+$0x20]  }
0x4f: {  	v0 =	vld [tilespmem:s17+$0xFFFFFFC0];
	[tilespmem:s18+$0x1020 ss:$0x81] =	vst.msk $0xffff, v6;
	s17 =	sadd.s32 $0x80, s17  }
0x50: {  	s21 =	sadd.s32 $0x4, s21;
	v1 =	vld [tilespmem:s17+$0x30];
	[tilespmem:s18+$0x1830 ss:$0x81] =	vst.msk $0xffff, v7  }
.Ltmp4:
0x51: {  	_ = 	snop;
	(pc) =	sbr.rel .LBB1_4-.Ltmp4, $1  }
0x52: {  	_ =	sdelay $0x3  }
.LBB1_6:
0x53: {  	_ =	sfence.sel $0x180000  }
0x54: {  	s2 =	simm.s32 $0x1;
	[bflag:$0x0] =	sbarrier.arrive $0xFFFF  }
0x55: {  	s31 =	simm.s32 $0x2;
	[sflag:s2] =	ssyncpa.u1 $0x1  }
0x56: {  	[sflag:s31] =	ssyncpa.u1 $0x1  }
0x57: {  	p0 =	sne.s32 s0, $0x0;
	_ =	strace $0x9000004D  }
0x58: {  	s0 =	sadd.s32 @!p0 $0x100000, s1;
	[bflag:$0x2] =	sbarrier.arrive $0xFFFF  }
0x59: {  	[sflag:s0] =	ssyncadd.tile.s32 @!p0 $0x1;
	_ =	shalt  }
.Lfunc_end1:
_tile_overlayer_lowered:
.L_overlay_start_2:
0x5a: {  	(tag) =	ssettag $0x2  }
0x5b: {  	s0 =	rddreg [dreg:$0x0];
	s2 =	stileid.u32  }
0x5c: {  	s1 =	rddreg [dreg:$0x1];
	p0 =	sne.s32 s2, $0x0  }
0x5d: {  	s3 =	rddreg [dreg:$0x2];
	[bflag:$0x3] =	sbarrier.arrive $0xFFFF;
	s2 =	simm.s32 @!p0 $0x1C01  }
0x5e: {  	[timem:s3], [sflag:s2] =	dma.local @!p0 [hbm:s0], s1  }
0x5f: {  	s0 =	simm.s32 @!p0 $0x1  }
0x60: {  	_ =	swait.ge @!p0 [sflag:s0], s1  }
0x61: {  	s1 =	ssub.s32 @!p0 $0x0, s1;
	[sflag:s0] =	ssyncset.done @!p0 $0x0  }
0x62: {  	[sflag:s0] =	ssyncadd.s32 @!p0 s1  }
0x63: {  	[bflag:$0x3] =	sbarrier.arrive $0xFFFF  }
0x64: {  	_ =	shalt  }

</sc_bundles>
